<compile_context>
chip_gen: v7x
topology: tpu7x:2x2x1
jax: 0.10.2.dev20260603
libtpu: 0.0.44.dev20260713+nightly
codegen_flags: <defaults>
</compile_context>

<pallas_src>
import dataclasses
import functools

import jax
import jax.numpy as jnp
from jax import lax
from jax.experimental import pallas as pl
from jax.experimental.pallas import tpu as pltpu
from jax.experimental.pallas import tpu_sc as plsc

N = 50000
D = 256
B = 256
C_MAX = 32
CHUNK = 112
NCHUNKS = (N + CHUNK - 1) // CHUNK
NBUCKET = B * C_MAX
HALF = NBUCKET // 2
NSUB = 16
ZROWS = HALF // NSUB
KMAX = -(-NCHUNKS // NSUB)
NPAD = 49 * 1024


def _sc_body(node_hbm, batch_hbm, comp_hbm, zeros_hbm, e_out,
             nlo, nhi, bbufs, cbufs, ibufs, flags, acc_lo, acc_hi,
             semz, semh, semn0, semn1, sems0, sems1):
    cid = lax.axis_index("c")
    sid = lax.axis_index("s")
    base = cid * HALF
    glo = cid * (B // 2)
    semn = (semn0, semn1)
    sems = (sems0, sems1)

    def chunk_start(k):
        j = k * NSUB + sid
        return jnp.minimum(j * CHUNK, N - CHUNK)

    def header_dma(k):
        start = chunk_start(k)
        slot = lax.rem(k, 4) if isinstance(k, jax.Array) else k % 4
        return (pltpu.make_async_copy(batch_hbm.at[pl.ds(start, CHUNK)],
                                      bbufs.at[slot], semh),
                pltpu.make_async_copy(comp_hbm.at[pl.ds(start, CHUNK)],
                                      cbufs.at[slot], semh))

    zl = pltpu.make_async_copy(zeros_hbm, acc_lo.at[pl.ds(sid * ZROWS, ZROWS)],
                               semz)
    zh = pltpu.make_async_copy(zeros_hbm, acc_hi.at[pl.ds(sid * ZROWS, ZROWS)],
                               semz)
    zl.start()
    zh.start()
    for k in range(min(2, KMAX)):
        for h in header_dma(k):
            h.start()

    iota = lax.broadcasted_iota(jnp.int32, (16,), 0)
    dummy = HALF + sid
    HD = D // 2

    zl.wait()
    zh.wait()
    plsc.subcore_barrier()

    def node_dma(k, half):
        buf = lax.rem(k, 2)
        src = node_hbm.at[pl.ds(chunk_start(k), CHUNK), pl.ds(half * HD, HD)]
        return pltpu.make_async_copy(src, (nlo, nhi)[half].at[buf],
                                     semn[half])

    def scat_dma(k, half):
        buf = lax.rem(k, 2)
        return pltpu.make_async_copy(
            (nlo, nhi)[half].at[buf],
            (acc_lo, acc_hi)[half].at[ibufs.at[lax.rem(k, 4)]], sems[half])

    @pl.loop(0, KMAX + 2)
    def _(k):
        @pl.when((k >= 2) & (flags[jnp.maximum(k - 2, 0)] == 1))
        def _():
            scat_dma(k - 2, 0).wait()
            scat_dma(k - 2, 1).wait()

        @pl.when(k + 2 < KMAX)
        def _():
            for h in header_dma(k + 2):
                h.start()

        @pl.when(k < KMAX)
        def _():
            j = k * NSUB + sid
            start = chunk_start(k)
            slot = lax.rem(k, 4)
            for h in header_dma(k):
                h.wait()
            lo = jnp.min(bbufs[slot, pl.ds(0, 16)])
            hi = jnp.max(bbufs[slot, pl.ds(CHUNK - 16, 16)])
            rel = (hi >= glo) & (lo < glo + B // 2) & (j < NCHUNKS)
            flags[k] = rel.astype(jnp.int32)

            @pl.when(rel)
            def _():
                node_dma(k, 0).start()
                node_dma(k, 1).start()
                for g in range(CHUNK // 16):
                    b = bbufs[slot, pl.ds(g * 16, 16)]
                    c = cbufs[slot, pl.ds(g * 16, 16)]
                    sval = b * C_MAX + c - base
                    pos = start + g * 16 + iota
                    ok = (sval >= 0) & (sval < HALF) & (pos >= j * CHUNK)
                    ibufs[slot, pl.ds(g * 16, 16)] = jnp.where(ok, sval, dummy)

        @pl.when((k >= 1) & (k <= KMAX)
                 & (flags[jnp.maximum(k - 1, 0)] == 1))
        def _():
            node_dma(k - 1, 0).wait()
            node_dma(k - 1, 1).wait()
            scat_dma(k - 1, 0).start(add=True)
            scat_dma(k - 1, 1).start(add=True)

    plsc.subcore_barrier()
    row = sid * ZROWS
    pltpu.sync_copy(acc_lo.at[pl.ds(row, ZROWS)],
                    e_out.at[pl.ds(base + row, ZROWS), pl.ds(0, HD)])
    pltpu.sync_copy(acc_hi.at[pl.ds(row, ZROWS)],
                    e_out.at[pl.ds(base + row, ZROWS), pl.ds(HD, HD)])


_sc_compiler_params = pltpu.CompilerParams()
if "needs_layout_passes" in pltpu.CompilerParams.__dataclass_fields__:
    _sc_compiler_params = dataclasses.replace(
        _sc_compiler_params, needs_layout_passes=False)

_sc_segment_sum = functools.partial(
    pl.kernel,
    compiler_params=_sc_compiler_params,
    out_type=jax.ShapeDtypeStruct((NBUCKET, D), jnp.float32),
    mesh=plsc.VectorSubcoreMesh(core_axis_name="c", subcore_axis_name="s"),
    scratch_types=[
        pltpu.VMEM((2, CHUNK, D // 2), jnp.float32),
        pltpu.VMEM((2, CHUNK, D // 2), jnp.float32),
        pltpu.VMEM((4, CHUNK), jnp.int32),
        pltpu.VMEM((4, CHUNK), jnp.int32),
        pltpu.VMEM((4, CHUNK), jnp.int32),
        pltpu.SMEM((KMAX,), jnp.int32),
        pltpu.VMEM_SHARED((HALF + NSUB, D // 2), jnp.float32),
        pltpu.VMEM_SHARED((HALF + NSUB, D // 2), jnp.float32),
        pltpu.SemaphoreType.DMA,
        pltpu.SemaphoreType.DMA,
        pltpu.SemaphoreType.DMA,
        pltpu.SemaphoreType.DMA,
        pltpu.SemaphoreType.DMA,
        pltpu.SemaphoreType.DMA,
    ],
)(_sc_body)


NC_ROWS = 8
CHK = 128


def _numc_body(b_ref, c_ref, o_ref, mx_ref):
    i = pl.program_id(0)

    @pl.when(i == 0)
    def _():
        mx_ref[...] = jnp.full((1, B), -1, jnp.int32)

    giota = lax.broadcasted_iota(jnp.int32, (1, B), 1)
    bt = jnp.transpose(b_ref[...])
    ct = jnp.transpose(c_ref[...])
    mx = mx_ref[...]
    for j in range(NC_ROWS):
        cand = jnp.where(bt[:, j:j + 1] == giota,
                         ct[:, j:j + 1], -1)
        mx = jnp.maximum(mx, jnp.max(cand, axis=0, keepdims=True))
    mx_ref[...] = mx

    @pl.when(i == NPAD // (NC_ROWS * CHK) - 1)
    def _():
        o_ref[...] = (mx_ref[...] + 1).astype(jnp.float32)


def _mlp_body(e_ref, m_ref, w1_ref, b1_ref, w2_ref, b2_ref, o_ref):
    e = e_ref[...]
    h = jnp.dot(e, w1_ref[...], preferred_element_type=jnp.float32)
    h = h + b1_ref[...]
    h = jnp.where(h >= 0, h, 0.01 * h)
    val = jnp.dot(h, w2_ref[...],
                  preferred_element_type=jnp.float32) + b2_ref[0, 0]
    valm = val.reshape(-1, C_MAX)
    ciota = lax.broadcasted_iota(jnp.int32, (1, C_MAX), 1).astype(jnp.float32)
    msk = (ciota < m_ref[...]).astype(jnp.float32)
    v = jnp.sum(valm * msk, axis=1, keepdims=True)
    o_ref[...] = v


def kernel(node_embed, batch, component, W1, b1, W2, b2):
    bpad = jnp.full((NPAD - N,), B, jnp.int32)
    b2d = jnp.concatenate([batch, bpad]).reshape(NPAD // CHK, CHK)
    c2d = jnp.concatenate(
        [component, jnp.zeros((NPAD - N,), jnp.int32)]
    ).reshape(NPAD // CHK, CHK)
    numc = pl.pallas_call(
        _numc_body,
        grid=(NPAD // (NC_ROWS * CHK),),
        in_specs=[
            pl.BlockSpec((NC_ROWS, CHK), lambda i: (i, 0)),
            pl.BlockSpec((NC_ROWS, CHK), lambda i: (i, 0)),
        ],
        out_specs=pl.BlockSpec((1, B), lambda i: (0, 0)),
        out_shape=jax.ShapeDtypeStruct((1, B), jnp.float32),
        scratch_shapes=[pltpu.VMEM((1, B), jnp.int32)],
    )(b2d, c2d)
    numc = numc.reshape(B, 1)

    zeros = jnp.zeros((ZROWS, D // 2), jnp.float32)
    e = _sc_segment_sum(node_embed, batch, component, zeros)

    rows = 2048
    v = pl.pallas_call(
        _mlp_body,
        grid=(NBUCKET // rows,),
        in_specs=[
            pl.BlockSpec((rows, D), lambda i: (i, 0)),
            pl.BlockSpec((rows // C_MAX, 1), lambda i: (i, 0)),
            pl.BlockSpec((D, D), lambda i: (0, 0)),
            pl.BlockSpec((1, D), lambda i: (0, 0)),
            pl.BlockSpec((D, 1), lambda i: (0, 0)),
            pl.BlockSpec((1, 1), lambda i: (0, 0)),
        ],
        out_specs=pl.BlockSpec((rows // C_MAX, 1), lambda i: (i, 0)),
        out_shape=jax.ShapeDtypeStruct((B, 1), jnp.float32),
    )(e, numc, W1, b1.reshape(1, D), W2, b2.reshape(1, 1))
    return v

# --- scband reference (transcript-rebuilt; emitter-appended) ---
"""Pipeline reference for scband-component-value-head-15522011808257 (READ-ONLY COPY).

The authoritative reference and input builder live on the scoring server;
editing this copy changes nothing except your own understanding.
"""

import jax, jax.numpy as jnp
import numpy as np

N = 50000
D = 256
B = 256
C_MAX = 32


def setup_inputs(seed: int = 0) -> dict:
    key = jax.random.key(seed)
    k1, k2, k3, k4, k5, k6, k7 = jax.random.split(key, 7)
    node_embed = jax.random.normal(k1, (N, D), dtype=jnp.float32)
    batch = jnp.sort(jax.random.randint(k2, (N,), 0, B, dtype=jnp.int32))
    component = jax.random.randint(k3, (N,), 0, C_MAX, dtype=jnp.int32)
    W1 = jax.random.normal(k4, (D, D), dtype=jnp.float32) / np.sqrt(D)
    b1 = jax.random.normal(k5, (D,), dtype=jnp.float32) * 0.01
    W2 = jax.random.normal(k6, (D, 1), dtype=jnp.float32) / np.sqrt(D)
    b2 = jax.random.normal(k7, (1,), dtype=jnp.float32) * 0.01
    return {"node_embed": node_embed, "batch": batch, "component": component,
            "W1": W1, "b1": b1, "W2": W2, "b2": b2}


def reference(node_embed, batch, component, W1, b1, W2, b2):
    num_graphs = B
    # scatter_max(component, batch)[0] + 1 -> number of components per graph
    num_comp = jax.ops.segment_max(component, batch, num_segments=num_graphs) + 1
    # offsets[0]=0; offsets[1:] = cumsum(num_comp[:-1])
    offsets = jnp.concatenate([jnp.zeros((1,), dtype=num_comp.dtype), jnp.cumsum(num_comp[:-1])])
    comp_global = component + offsets[batch]
    total = jnp.sum(num_comp)
    total_max = num_graphs * C_MAX
    # global_add_pool(node_embed, component)
    comp_embed = jax.ops.segment_sum(node_embed, comp_global, num_segments=total_max)
    # MLPHead: Linear(D,D) -> leaky_relu -> Linear(D,1); dropout=0
    h = jax.nn.leaky_relu(comp_embed @ W1 + b1)
    comp_val = h @ W2 + b2
    # scatter_sum(component_value, repeat_interleave(arange(B), num_comp))
    graph_ids = jnp.repeat(jnp.arange(num_graphs), num_comp, total_repeat_length=total_max)
    graph_ids = jnp.where(jnp.arange(total_max) < total, graph_ids, num_graphs)
    v_values = jax.ops.segment_sum(comp_val, graph_ids, num_segments=num_graphs + 1)[:num_graphs]
    return v_values

if __name__ == "__main__":
    import jax
    _d = setup_inputs()
    print(jax.jit(kernel)(*tuple(_d.values())))

</pallas_src>

<mosaic_0001>
#map = affine_map<(d0, d1) -> (0, 0)>
#map1 = affine_map<(d0, d1) -> (0)>
module attributes {stable_mosaic.version = 14 : i64} {
  func.func @_sc_body(%arg0: i32, %arg1: i32, %arg2: memref<50000x256xf32, #tpu.memory_space<hbm>>, %arg3: memref<50000xi32, #tpu.memory_space<hbm>>, %arg4: memref<50000xi32, #tpu.memory_space<hbm>>, %arg5: memref<256x128xf32, #tpu.memory_space<hbm>>, %arg6: memref<8192x256xf32, #tpu.memory_space<hbm>>, %arg7: memref<2x112x128xf32, #tpu.memory_space<vmem>>, %arg8: memref<2x112x128xf32, #tpu.memory_space<vmem>>, %arg9: memref<4x112xi32, #tpu.memory_space<vmem>>, %arg10: memref<4x112xi32, #tpu.memory_space<vmem>>, %arg11: memref<4x112xi32, #tpu.memory_space<vmem>>, %arg12: memref<28xi32, #tpu.memory_space<smem>>, %arg13: memref<4112x128xf32, #tpu.memory_space<vmem_shared>>, %arg14: memref<4112x128xf32, #tpu.memory_space<vmem_shared>>, %arg15: memref<!tpu.dma_semaphore, #tpu.memory_space<semaphore_mem>>, %arg16: memref<!tpu.dma_semaphore, #tpu.memory_space<semaphore_mem>>, %arg17: memref<!tpu.dma_semaphore, #tpu.memory_space<semaphore_mem>>, %arg18: memref<!tpu.dma_semaphore, #tpu.memory_space<semaphore_mem>>, %arg19: memref<!tpu.dma_semaphore, #tpu.memory_space<semaphore_mem>>, %arg20: memref<!tpu.dma_semaphore, #tpu.memory_space<semaphore_mem>>) attributes {dimension_semantics = [#tpu.dimension_semantics<core_parallel>, #tpu.dimension_semantics<subcore_parallel>], iteration_bounds = array<i64: 2, 16>, scalar_prefetch = 0 : i64, scratch_operands = 14 : i64, tpu.core_type = #tpu.core_type<sc_vector_subcore>, window_params = [{transform_indices = #map}, {transform_indices = #map1}, {transform_indices = #map1}, {transform_indices = #map}, {transform_indices = #map}]} {
    %mul3A = arith.constant 4096 : i32
    %mul3A_0 = arith.muli %arg0, %mul3A : i32
    %mul3A_1 = arith.constant 128 : i32
    %mul3A_2 = arith.muli %arg0, %mul3A_1 : i32
    %mul3A_3 = arith.constant 256 : i32
    %mul3A_4 = arith.muli %arg1, %mul3A_3 : i32
    %mul3A_5 = arith.constant 256 : i32
    %mul3A_6 = arith.muli %arg1, %mul3A_5 : i32
    %dma_start3A = arith.constant 0 : i32
    %dma_start3A_7 = tpu.memref_slice %arg13[%mul3A_4, %dma_start3A] : memref<4112x128xf32, #tpu.memory_space<vmem_shared>> -> memref<256x128xf32, #tpu.memory_space<vmem_shared>>
    tpu.enqueue_dma source(%arg5 : memref<256x128xf32, #tpu.memory_space<hbm>>) target(%dma_start3A_7 : memref<256x128xf32, #tpu.memory_space<vmem_shared>>) target_semaphore(%arg15 : memref<!tpu.dma_semaphore, #tpu.memory_space<semaphore_mem>>)
    %dma_start3A_8 = arith.constant 0 : i32
    %dma_start3A_9 = tpu.memref_slice %arg14[%mul3A_6, %dma_start3A_8] : memref<4112x128xf32, #tpu.memory_space<vmem_shared>> -> memref<256x128xf32, #tpu.memory_space<vmem_shared>>
    tpu.enqueue_dma source(%arg5 : memref<256x128xf32, #tpu.memory_space<hbm>>) target(%dma_start3A_9 : memref<256x128xf32, #tpu.memory_space<vmem_shared>>) target_semaphore(%arg15 : memref<!tpu.dma_semaphore, #tpu.memory_space<semaphore_mem>>)
    %add3A = arith.constant 0 : i32
    %add3A_10 = arith.addi %add3A, %arg1 : i32
    %mul3A_11 = arith.constant 112 : i32
    %mul3A_12 = arith.muli %add3A_10, %mul3A_11 : i32
    %min3A = arith.constant 49888 : i32
    %min3A_13 = arith.minsi %mul3A_12, %min3A : i32
    %dma_start3A_14 = arith.constant 0 : i32
    %dma_start3A_15 = arith.constant 0 : i32
    %dma_start3A_16 = tpu.memref_slice %arg9[%dma_start3A_14, %dma_start3A_15] : memref<4x112xi32, #tpu.memory_space<vmem>> -> memref<1x112xi32, #tpu.memory_space<vmem>>
    %dma_start3A_17 = tpu.memref_squeeze %dma_start3A_16 : memref<1x112xi32, #tpu.memory_space<vmem>> -> memref<112xi32, #tpu.memory_space<vmem>>
    %dma_start3A_18 = tpu.memref_slice %arg3[%min3A_13] : memref<50000xi32, #tpu.memory_space<hbm>> -> memref<112xi32, #tpu.memory_space<hbm>>
    %dma_start3A_19 = arith.constant 0 : i32
    %dma_start3A_20 = tpu.memref_slice %arg9[%dma_start3A_14, %dma_start3A_19] : memref<4x112xi32, #tpu.memory_space<vmem>> -> memref<1x112xi32, #tpu.memory_space<vmem>>
    %dma_start3A_21 = tpu.memref_squeeze %dma_start3A_20 : memref<1x112xi32, #tpu.memory_space<vmem>> -> memref<112xi32, #tpu.memory_space<vmem>>
    %dma_start3A_22 = tpu.memref_slice %arg3[%min3A_13] : memref<50000xi32, #tpu.memory_space<hbm>> -> memref<112xi32, #tpu.memory_space<hbm>>
    tpu.enqueue_dma source(%dma_start3A_22 : memref<112xi32, #tpu.memory_space<hbm>>) target(%dma_start3A_21 : memref<112xi32, #tpu.memory_space<vmem>>) target_semaphore(%arg16 : memref<!tpu.dma_semaphore, #tpu.memory_space<semaphore_mem>>)
    %dma_start3A_23 = arith.constant 0 : i32
    %dma_start3A_24 = arith.constant 0 : i32
    %dma_start3A_25 = tpu.memref_slice %arg10[%dma_start3A_23, %dma_start3A_24] : memref<4x112xi32, #tpu.memory_space<vmem>> -> memref<1x112xi32, #tpu.memory_space<vmem>>
    %dma_start3A_26 = tpu.memref_squeeze %dma_start3A_25 : memref<1x112xi32, #tpu.memory_space<vmem>> -> memref<112xi32, #tpu.memory_space<vmem>>
    %dma_start3A_27 = tpu.memref_slice %arg4[%min3A_13] : memref<50000xi32, #tpu.memory_space<hbm>> -> memref<112xi32, #tpu.memory_space<hbm>>
    %dma_start3A_28 = arith.constant 0 : i32
    %dma_start3A_29 = tpu.memref_slice %arg10[%dma_start3A_23, %dma_start3A_28] : memref<4x112xi32, #tpu.memory_space<vmem>> -> memref<1x112xi32, #tpu.memory_space<vmem>>
    %dma_start3A_30 = tpu.memref_squeeze %dma_start3A_29 : memref<1x112xi32, #tpu.memory_space<vmem>> -> memref<112xi32, #tpu.memory_space<vmem>>
    %dma_start3A_31 = tpu.memref_slice %arg4[%min3A_13] : memref<50000xi32, #tpu.memory_space<hbm>> -> memref<112xi32, #tpu.memory_space<hbm>>
    tpu.enqueue_dma source(%dma_start3A_31 : memref<112xi32, #tpu.memory_space<hbm>>) target(%dma_start3A_30 : memref<112xi32, #tpu.memory_space<vmem>>) target_semaphore(%arg16 : memref<!tpu.dma_semaphore, #tpu.memory_space<semaphore_mem>>)
    %add3A_32 = arith.constant 16 : i32
    %add3A_33 = arith.addi %add3A_32, %arg1 : i32
    %mul3A_34 = arith.constant 112 : i32
    %mul3A_35 = arith.muli %add3A_33, %mul3A_34 : i32
    %min3A_36 = arith.constant 49888 : i32
    %min3A_37 = arith.minsi %mul3A_35, %min3A_36 : i32
    %dma_start3A_38 = arith.constant 1 : i32
    %dma_start3A_39 = arith.constant 0 : i32
    %dma_start3A_40 = tpu.memref_slice %arg9[%dma_start3A_38, %dma_start3A_39] : memref<4x112xi32, #tpu.memory_space<vmem>> -> memref<1x112xi32, #tpu.memory_space<vmem>>
    %dma_start3A_41 = tpu.memref_squeeze %dma_start3A_40 : memref<1x112xi32, #tpu.memory_space<vmem>> -> memref<112xi32, #tpu.memory_space<vmem>>
    %dma_start3A_42 = tpu.memref_slice %arg3[%min3A_37] : memref<50000xi32, #tpu.memory_space<hbm>> -> memref<112xi32, #tpu.memory_space<hbm>>
    %dma_start3A_43 = arith.constant 0 : i32
    %dma_start3A_44 = tpu.memref_slice %arg9[%dma_start3A_38, %dma_start3A_43] : memref<4x112xi32, #tpu.memory_space<vmem>> -> memref<1x112xi32, #tpu.memory_space<vmem>>
    %dma_start3A_45 = tpu.memref_squeeze %dma_start3A_44 : memref<1x112xi32, #tpu.memory_space<vmem>> -> memref<112xi32, #tpu.memory_space<vmem>>
    %dma_start3A_46 = tpu.memref_slice %arg3[%min3A_37] : memref<50000xi32, #tpu.memory_space<hbm>> -> memref<112xi32, #tpu.memory_space<hbm>>
    tpu.enqueue_dma source(%dma_start3A_46 : memref<112xi32, #tpu.memory_space<hbm>>) target(%dma_start3A_45 : memref<112xi32, #tpu.memory_space<vmem>>) target_semaphore(%arg16 : memref<!tpu.dma_semaphore, #tpu.memory_space<semaphore_mem>>)
    %dma_start3A_47 = arith.constant 1 : i32
    %dma_start3A_48 = arith.constant 0 : i32
    %dma_start3A_49 = tpu.memref_slice %arg10[%dma_start3A_47, %dma_start3A_48] : memref<4x112xi32, #tpu.memory_space<vmem>> -> memref<1x112xi32, #tpu.memory_space<vmem>>
    %dma_start3A_50 = tpu.memref_squeeze %dma_start3A_49 : memref<1x112xi32, #tpu.memory_space<vmem>> -> memref<112xi32, #tpu.memory_space<vmem>>
    %dma_start3A_51 = tpu.memref_slice %arg4[%min3A_37] : memref<50000xi32, #tpu.memory_space<hbm>> -> memref<112xi32, #tpu.memory_space<hbm>>
    %dma_start3A_52 = arith.constant 0 : i32
    %dma_start3A_53 = tpu.memref_slice %arg10[%dma_start3A_47, %dma_start3A_52] : memref<4x112xi32, #tpu.memory_space<vmem>> -> memref<1x112xi32, #tpu.memory_space<vmem>>
    %dma_start3A_54 = tpu.memref_squeeze %dma_start3A_53 : memref<1x112xi32, #tpu.memory_space<vmem>> -> memref<112xi32, #tpu.memory_space<vmem>>
    %dma_start3A_55 = tpu.memref_slice %arg4[%min3A_37] : memref<50000xi32, #tpu.memory_space<hbm>> -> memref<112xi32, #tpu.memory_space<hbm>>
    tpu.enqueue_dma source(%dma_start3A_55 : memref<112xi32, #tpu.memory_space<hbm>>) target(%dma_start3A_54 : memref<112xi32, #tpu.memory_space<vmem>>) target_semaphore(%arg16 : memref<!tpu.dma_semaphore, #tpu.memory_space<semaphore_mem>>)
    %iota3A = tpu.iota {dimensions = array<i32: 0>} : vector<16xi32>
    %add3A_56 = arith.constant 4096 : i32
    %add3A_57 = arith.addi %add3A_56, %arg1 : i32
    %dma_wait3A = arith.constant 0 : i32
    %dma_wait3A_58 = tpu.memref_slice %arg13[%mul3A_4, %dma_wait3A] : memref<4112x128xf32, #tpu.memory_space<vmem_shared>> -> memref<256x128xf32, #tpu.memory_space<vmem_shared>>
    tpu.wait_dma2 semaphore(%arg15 : memref<!tpu.dma_semaphore, #tpu.memory_space<semaphore_mem>>) src(%arg5 : memref<256x128xf32, #tpu.memory_space<hbm>>) dst(%dma_wait3A_58 : memref<256x128xf32, #tpu.memory_space<vmem_shared>>)
    %dma_wait3A_59 = arith.constant 0 : i32
    %dma_wait3A_60 = tpu.memref_slice %arg14[%mul3A_6, %dma_wait3A_59] : memref<4112x128xf32, #tpu.memory_space<vmem_shared>> -> memref<256x128xf32, #tpu.memory_space<vmem_shared>>
    tpu.wait_dma2 semaphore(%arg15 : memref<!tpu.dma_semaphore, #tpu.memory_space<semaphore_mem>>) src(%arg5 : memref<256x128xf32, #tpu.memory_space<hbm>>) dst(%dma_wait3A_60 : memref<256x128xf32, #tpu.memory_space<vmem_shared>>)
    %barrier3A = arith.constant 0 : index
    tpu.barrier barrier_id(%barrier3A)
    %scan3A = arith.constant 0 : i32
    %scan3A_61 = arith.constant 30 : i32
    %scan3A_62 = arith.addi %scan3A, %scan3A_61 : i32
    %scan3A_63 = arith.constant 1 : i32
    scf.for %scan3A_70 = %scan3A to %scan3A_62 step %scan3A_63  : i32 {
      %mul3A_71 = arith.constant 1 : i32
      %mul3A_72 = arith.muli %scan3A_70, %mul3A_71 : i32
      %add3A_73 = arith.constant 0 : i32
      %add3A_74 = arith.addi %add3A_73, %mul3A_72 : i32
      %ge3A = arith.constant 2 : i32
      %ge3A_75 = arith.cmpi sge, %add3A_74, %ge3A : i32
      %sub3A = arith.constant 2 : i32
      %sub3A_76 = arith.subi %add3A_74, %sub3A : i32
      %max3A = arith.constant 0 : i32
      %max3A_77 = arith.maxsi %sub3A_76, %max3A : i32
      %get3A = arith.index_cast %max3A_77 : i32 to index
      %get3A_78 = memref.load %arg12[%get3A] : memref<28xi32, #tpu.memory_space<smem>>
      %eq3A = arith.constant 1 : i32
      %eq3A_79 = arith.cmpi eq, %get3A_78, %eq3A : i32
      %and3A = arith.andi %ge3A_75, %eq3A_79 : i1
      %convert_element_type3A = arith.extui %and3A : i1 to i32
      %cond3A = arith.constant 0 : i32
      %cond3A_80 = arith.cmpi ne, %convert_element_type3A, %cond3A : i32
      scf.if %cond3A_80 {
        %sub3A_108 = arith.constant 2 : i32
        %sub3A_109 = arith.subi %add3A_74, %sub3A_108 : i32
        %rem3A = arith.constant 2 : i32
        %rem3A_110 = arith.remsi %sub3A_109, %rem3A : i32
        %rem3A_111 = arith.constant 4 : i32
        %rem3A_112 = arith.remsi %sub3A_109, %rem3A_111 : i32
        %dma_wait3A_113 = arith.constant 0 : i32
        %dma_wait3A_114 = arith.constant 0 : i32
        %dma_wait3A_115 = tpu.memref_slice %arg7[%rem3A_110, %dma_wait3A_113, %dma_wait3A_114] : memref<2x112x128xf32, #tpu.memory_space<vmem>> -> memref<1x112x128xf32, #tpu.memory_space<vmem>>
        %dma_wait3A_116 = tpu.memref_squeeze %dma_wait3A_115 : memref<1x112x128xf32, #tpu.memory_space<vmem>> -> memref<112x128xf32, #tpu.memory_space<vmem>>
        %dma_wait3A_117 = arith.constant 0 : i32
        %dma_wait3A_118 = tpu.memref_slice %arg11[%rem3A_112, %dma_wait3A_117] : memref<4x112xi32, #tpu.memory_space<vmem>> -> memref<1x112xi32, #tpu.memory_space<vmem>>
        %dma_wait3A_119 = tpu.memref_squeeze %dma_wait3A_118 : memref<1x112xi32, #tpu.memory_space<vmem>> -> memref<112xi32, #tpu.memory_space<vmem>>
        %dma_wait3A_120 = arith.constant 0 : i32
        %dma_wait3A_121 = arith.constant 0 : i32
        %dma_wait3A_122 = tpu.memref_slice %arg13[%dma_wait3A_120, %dma_wait3A_121] : memref<4112x128xf32, #tpu.memory_space<vmem_shared>> -> memref<4112x128xf32, #tpu.memory_space<vmem_shared>>
        tpu.wait_indirect_dma semaphore(%arg19 : memref<!tpu.dma_semaphore, #tpu.memory_space<semaphore_mem>>) src(%dma_wait3A_116 : memref<112x128xf32, #tpu.memory_space<vmem>>) dst(%dma_wait3A_122 : memref<4112x128xf32, #tpu.memory_space<vmem_shared>>)
        %sub3A_123 = arith.constant 2 : i32
        %sub3A_124 = arith.subi %add3A_74, %sub3A_123 : i32
        %rem3A_125 = arith.constant 2 : i32
        %rem3A_126 = arith.remsi %sub3A_124, %rem3A_125 : i32
        %rem3A_127 = arith.constant 4 : i32
        %rem3A_128 = arith.remsi %sub3A_124, %rem3A_127 : i32
        %dma_wait3A_129 = arith.constant 0 : i32
        %dma_wait3A_130 = arith.constant 0 : i32
        %dma_wait3A_131 = tpu.memref_slice %arg8[%rem3A_126, %dma_wait3A_129, %dma_wait3A_130] : memref<2x112x128xf32, #tpu.memory_space<vmem>> -> memref<1x112x128xf32, #tpu.memory_space<vmem>>
        %dma_wait3A_132 = tpu.memref_squeeze %dma_wait3A_131 : memref<1x112x128xf32, #tpu.memory_space<vmem>> -> memref<112x128xf32, #tpu.memory_space<vmem>>
        %dma_wait3A_133 = arith.constant 0 : i32
        %dma_wait3A_134 = tpu.memref_slice %arg11[%rem3A_128, %dma_wait3A_133] : memref<4x112xi32, #tpu.memory_space<vmem>> -> memref<1x112xi32, #tpu.memory_space<vmem>>
        %dma_wait3A_135 = tpu.memref_squeeze %dma_wait3A_134 : memref<1x112xi32, #tpu.memory_space<vmem>> -> memref<112xi32, #tpu.memory_space<vmem>>
        %dma_wait3A_136 = arith.constant 0 : i32
        %dma_wait3A_137 = arith.constant 0 : i32
        %dma_wait3A_138 = tpu.memref_slice %arg14[%dma_wait3A_136, %dma_wait3A_137] : memref<4112x128xf32, #tpu.memory_space<vmem_shared>> -> memref<4112x128xf32, #tpu.memory_space<vmem_shared>>
        tpu.wait_indirect_dma semaphore(%arg20 : memref<!tpu.dma_semaphore, #tpu.memory_space<semaphore_mem>>) src(%dma_wait3A_132 : memref<112x128xf32, #tpu.memory_space<vmem>>) dst(%dma_wait3A_138 : memref<4112x128xf32, #tpu.memory_space<vmem_shared>>)
      } else {
      }
      %add3A_81 = arith.constant 2 : i32
      %add3A_82 = arith.addi %add3A_74, %add3A_81 : i32
      %lt3A = arith.constant 28 : i32
      %lt3A_83 = arith.cmpi slt, %add3A_82, %lt3A : i32
      %convert_element_type3A_84 = arith.extui %lt3A_83 : i1 to i32
      %cond3A_85 = arith.constant 0 : i32
      %cond3A_86 = arith.cmpi ne, %convert_element_type3A_84, %cond3A_85 : i32
      scf.if %cond3A_86 {
        %add3A_108 = arith.constant 2 : i32
        %add3A_109 = arith.addi %add3A_74, %add3A_108 : i32
        %mul3A_110 = arith.constant 16 : i32
        %mul3A_111 = arith.muli %add3A_109, %mul3A_110 : i32
        %add3A_112 = arith.addi %mul3A_111, %arg1 : i32
        %mul3A_113 = arith.constant 112 : i32
        %mul3A_114 = arith.muli %add3A_112, %mul3A_113 : i32
        %min3A_115 = arith.constant 49888 : i32
        %min3A_116 = arith.minsi %mul3A_114, %min3A_115 : i32
        %rem3A = arith.constant 4 : i32
        %rem3A_117 = arith.remsi %add3A_109, %rem3A : i32
        %dma_start3A_118 = arith.constant 0 : i32
        %dma_start3A_119 = tpu.memref_slice %arg9[%rem3A_117, %dma_start3A_118] : memref<4x112xi32, #tpu.memory_space<vmem>> -> memref<1x112xi32, #tpu.memory_space<vmem>>
        %dma_start3A_120 = tpu.memref_squeeze %dma_start3A_119 : memref<1x112xi32, #tpu.memory_space<vmem>> -> memref<112xi32, #tpu.memory_space<vmem>>
        %dma_start3A_121 = tpu.memref_slice %arg3[%min3A_116] : memref<50000xi32, #tpu.memory_space<hbm>> -> memref<112xi32, #tpu.memory_space<hbm>>
        %dma_start3A_122 = arith.constant 0 : i32
        %dma_start3A_123 = tpu.memref_slice %arg9[%rem3A_117, %dma_start3A_122] : memref<4x112xi32, #tpu.memory_space<vmem>> -> memref<1x112xi32, #tpu.memory_space<vmem>>
        %dma_start3A_124 = tpu.memref_squeeze %dma_start3A_123 : memref<1x112xi32, #tpu.memory_space<vmem>> -> memref<112xi32, #tpu.memory_space<vmem>>
        %dma_start3A_125 = tpu.memref_slice %arg3[%min3A_116] : memref<50000xi32, #tpu.memory_space<hbm>> -> memref<112xi32, #tpu.memory_space<hbm>>
        tpu.enqueue_dma source(%dma_start3A_125 : memref<112xi32, #tpu.memory_space<hbm>>) target(%dma_start3A_124 : memref<112xi32, #tpu.memory_space<vmem>>) target_semaphore(%arg16 : memref<!tpu.dma_semaphore, #tpu.memory_space<semaphore_mem>>)
        %dma_start3A_126 = arith.constant 0 : i32
        %dma_start3A_127 = tpu.memref_slice %arg10[%rem3A_117, %dma_start3A_126] : memref<4x112xi32, #tpu.memory_space<vmem>> -> memref<1x112xi32, #tpu.memory_space<vmem>>
        %dma_start3A_128 = tpu.memref_squeeze %dma_start3A_127 : memref<1x112xi32, #tpu.memory_space<vmem>> -> memref<112xi32, #tpu.memory_space<vmem>>
        %dma_start3A_129 = tpu.memref_slice %arg4[%min3A_116] : memref<50000xi32, #tpu.memory_space<hbm>> -> memref<112xi32, #tpu.memory_space<hbm>>
        %dma_start3A_130 = arith.constant 0 : i32
        %dma_start3A_131 = tpu.memref_slice %arg10[%rem3A_117, %dma_start3A_130] : memref<4x112xi32, #tpu.memory_space<vmem>> -> memref<1x112xi32, #tpu.memory_space<vmem>>
        %dma_start3A_132 = tpu.memref_squeeze %dma_start3A_131 : memref<1x112xi32, #tpu.memory_space<vmem>> -> memref<112xi32, #tpu.memory_space<vmem>>
        %dma_start3A_133 = tpu.memref_slice %arg4[%min3A_116] : memref<50000xi32, #tpu.memory_space<hbm>> -> memref<112xi32, #tpu.memory_space<hbm>>
        tpu.enqueue_dma source(%dma_start3A_133 : memref<112xi32, #tpu.memory_space<hbm>>) target(%dma_start3A_132 : memref<112xi32, #tpu.memory_space<vmem>>) target_semaphore(%arg16 : memref<!tpu.dma_semaphore, #tpu.memory_space<semaphore_mem>>)
      } else {
      }
      %lt3A_87 = arith.constant 28 : i32
      %lt3A_88 = arith.cmpi slt, %add3A_74, %lt3A_87 : i32
      %convert_element_type3A_89 = arith.extui %lt3A_88 : i1 to i32
      %cond3A_90 = arith.constant 0 : i32
      %cond3A_91 = arith.cmpi ne, %convert_element_type3A_89, %cond3A_90 : i32
      scf.if %cond3A_91 {
        %mul3A_108 = arith.constant 16 : i32
        %mul3A_109 = arith.muli %add3A_74, %mul3A_108 : i32
        %add3A_110 = arith.addi %mul3A_109, %arg1 : i32
        %mul3A_111 = arith.constant 16 : i32
        %mul3A_112 = arith.muli %add3A_74, %mul3A_111 : i32
        %add3A_113 = arith.addi %mul3A_112, %arg1 : i32
        %mul3A_114 = arith.constant 112 : i32
        %mul3A_115 = arith.muli %add3A_113, %mul3A_114 : i32
        %min3A_116 = arith.constant 49888 : i32
        %min3A_117 = arith.minsi %mul3A_115, %min3A_116 : i32
        %rem3A = arith.constant 4 : i32
        %rem3A_118 = arith.remsi %add3A_74, %rem3A : i32
        %mul3A_119 = arith.constant 16 : i32
        %mul3A_120 = arith.muli %add3A_74, %mul3A_119 : i32
        %add3A_121 = arith.addi %mul3A_120, %arg1 : i32
        %mul3A_122 = arith.constant 112 : i32
        %mul3A_123 = arith.muli %add3A_121, %mul3A_122 : i32
        %min3A_124 = arith.constant 49888 : i32
        %min3A_125 = arith.minsi %mul3A_123, %min3A_124 : i32
        %rem3A_126 = arith.constant 4 : i32
        %rem3A_127 = arith.remsi %add3A_74, %rem3A_126 : i32
        %dma_wait3A_128 = arith.constant 0 : i32
        %dma_wait3A_129 = tpu.memref_slice %arg9[%rem3A_127, %dma_wait3A_128] : memref<4x112xi32, #tpu.memory_space<vmem>> -> memref<1x112xi32, #tpu.memory_space<vmem>>
        %dma_wait3A_130 = tpu.memref_squeeze %dma_wait3A_129 : memref<1x112xi32, #tpu.memory_space<vmem>> -> memref<112xi32, #tpu.memory_space<vmem>>
        %dma_wait3A_131 = tpu.memref_slice %arg3[%min3A_125] : memref<50000xi32, #tpu.memory_space<hbm>> -> memref<112xi32, #tpu.memory_space<hbm>>
        %dma_wait3A_132 = arith.constant 0 : i32
        %dma_wait3A_133 = tpu.memref_slice %arg9[%rem3A_127, %dma_wait3A_132] : memref<4x112xi32, #tpu.memory_space<vmem>> -> memref<1x112xi32, #tpu.memory_space<vmem>>
        %dma_wait3A_134 = tpu.memref_squeeze %dma_wait3A_133 : memref<1x112xi32, #tpu.memory_space<vmem>> -> memref<112xi32, #tpu.memory_space<vmem>>
        %dma_wait3A_135 = tpu.memref_slice %arg3[%min3A_125] : memref<50000xi32, #tpu.memory_space<hbm>> -> memref<112xi32, #tpu.memory_space<hbm>>
        tpu.wait_dma2 semaphore(%arg16 : memref<!tpu.dma_semaphore, #tpu.memory_space<semaphore_mem>>) src(%dma_wait3A_135 : memref<112xi32, #tpu.memory_space<hbm>>) dst(%dma_wait3A_134 : memref<112xi32, #tpu.memory_space<vmem>>)
        %dma_wait3A_136 = arith.constant 0 : i32
        %dma_wait3A_137 = tpu.memref_slice %arg10[%rem3A_127, %dma_wait3A_136] : memref<4x112xi32, #tpu.memory_space<vmem>> -> memref<1x112xi32, #tpu.memory_space<vmem>>
        %dma_wait3A_138 = tpu.memref_squeeze %dma_wait3A_137 : memref<1x112xi32, #tpu.memory_space<vmem>> -> memref<112xi32, #tpu.memory_space<vmem>>
        %dma_wait3A_139 = tpu.memref_slice %arg4[%min3A_125] : memref<50000xi32, #tpu.memory_space<hbm>> -> memref<112xi32, #tpu.memory_space<hbm>>
        %dma_wait3A_140 = arith.constant 0 : i32
        %dma_wait3A_141 = tpu.memref_slice %arg10[%rem3A_127, %dma_wait3A_140] : memref<4x112xi32, #tpu.memory_space<vmem>> -> memref<1x112xi32, #tpu.memory_space<vmem>>
        %dma_wait3A_142 = tpu.memref_squeeze %dma_wait3A_141 : memref<1x112xi32, #tpu.memory_space<vmem>> -> memref<112xi32, #tpu.memory_space<vmem>>
        %dma_wait3A_143 = tpu.memref_slice %arg4[%min3A_125] : memref<50000xi32, #tpu.memory_space<hbm>> -> memref<112xi32, #tpu.memory_space<hbm>>
        tpu.wait_dma2 semaphore(%arg16 : memref<!tpu.dma_semaphore, #tpu.memory_space<semaphore_mem>>) src(%dma_wait3A_143 : memref<112xi32, #tpu.memory_space<hbm>>) dst(%dma_wait3A_142 : memref<112xi32, #tpu.memory_space<vmem>>)
        %get3A_144 = arith.index_cast %rem3A_118 : i32 to index
        %get3A_145 = arith.constant 0 : index
        %get3A_146 = tpu.vector_load %arg9[%get3A_144, %get3A_145] {strides = array<i32>} : memref<4x112xi32, #tpu.memory_space<vmem>>, vector<16xi32>,
        %reduce_min3A = arith.constant true
        %reduce_min3A_147 = vector.broadcast %reduce_min3A : i1 to vector<16xi1>
        %reduce_min3A_148 = arith.constant -2147483648 : i32
        %reduce_min3A_149 = vector.broadcast %reduce_min3A_148 : i32 to vector<16xi32>
        %reduce_min3A_150 = arith.xori %get3A_146, %reduce_min3A_149 : vector<16xi32>
        %reduce_min3A_151 = tpu.scan <min>, %reduce_min3A_150 masked %reduce_min3A_147 : vector<16xi32>, vector<16xi1> -> vector<16xi32>
        %reduce_min3A_152 = arith.xori %reduce_min3A_151, %reduce_min3A_149 : vector<16xi32>
        %reduce_min3A_153 = vector.extract %reduce_min3A_152[15] : i32 from vector<16xi32>
        %get3A_154 = arith.index_cast %rem3A_118 : i32 to index
        %get3A_155 = arith.constant 96 : index
        %get3A_156 = tpu.vector_load %arg9[%get3A_154, %get3A_155] {strides = array<i32>} : memref<4x112xi32, #tpu.memory_space<vmem>>, vector<16xi32>,
        %reduce_max3A = arith.constant true
        %reduce_max3A_157 = vector.broadcast %reduce_max3A : i1 to vector<16xi1>
        %reduce_max3A_158 = arith.constant -2147483648 : i32
        %reduce_max3A_159 = vector.broadcast %reduce_max3A_158 : i32 to vector<16xi32>
        %reduce_max3A_160 = arith.xori %get3A_156, %reduce_max3A_159 : vector<16xi32>
        %reduce_max3A_161 = tpu.scan <max>, %reduce_max3A_160 masked %reduce_max3A_157 : vector<16xi32>, vector<16xi1> -> vector<16xi32>
        %reduce_max3A_162 = arith.xori %reduce_max3A_161, %reduce_max3A_159 : vector<16xi32>
        %reduce_max3A_163 = vector.extract %reduce_max3A_162[15] : i32 from vector<16xi32>
        %ge3A_164 = arith.cmpi sge, %reduce_max3A_163, %mul3A_2 : i32
        %add3A_165 = arith.constant 128 : i32
        %add3A_166 = arith.addi %mul3A_2, %add3A_165 : i32
        %lt3A_167 = arith.cmpi slt, %reduce_min3A_153, %add3A_166 : i32
        %and3A_168 = arith.andi %ge3A_164, %lt3A_167 : i1
        %lt3A_169 = arith.constant 447 : i32
        %lt3A_170 = arith.cmpi slt, %add3A_110, %lt3A_169 : i32
        %and3A_171 = arith.andi %and3A_168, %lt3A_170 : i1
        %convert_element_type3A_172 = arith.extui %and3A_171 : i1 to i32
        %swap3A = arith.index_cast %add3A_74 : i32 to index
        %swap3A_173 = memref.load %arg12[%swap3A] : memref<28xi32, #tpu.memory_space<smem>>
        memref.store %convert_element_type3A_172, %arg12[%swap3A] : memref<28xi32, #tpu.memory_space<smem>>
        %convert_element_type3A_174 = arith.extui %and3A_171 : i1 to i32
        %cond3A_175 = arith.constant 0 : i32
        %cond3A_176 = arith.cmpi ne, %convert_element_type3A_174, %cond3A_175 : i32
        scf.if %cond3A_176 {
          %rem3A_177 = arith.constant 2 : i32
          %rem3A_178 = arith.remsi %add3A_74, %rem3A_177 : i32
          %mul3A_179 = arith.constant 16 : i32
          %mul3A_180 = arith.muli %add3A_74, %mul3A_179 : i32
          %add3A_181 = arith.addi %mul3A_180, %arg1 : i32
          %mul3A_182 = arith.constant 112 : i32
          %mul3A_183 = arith.muli %add3A_181, %mul3A_182 : i32
          %min3A_184 = arith.constant 49888 : i32
          %min3A_185 = arith.minsi %mul3A_183, %min3A_184 : i32
          %dma_start3A_186 = arith.constant 0 : i32
          %dma_start3A_187 = arith.constant 0 : i32
          %dma_start3A_188 = tpu.memref_slice %arg7[%rem3A_178, %dma_start3A_186, %dma_start3A_187] : memref<2x112x128xf32, #tpu.memory_space<vmem>> -> memref<1x112x128xf32, #tpu.memory_space<vmem>>
          %dma_start3A_189 = tpu.memref_squeeze %dma_start3A_188 : memref<1x112x128xf32, #tpu.memory_space<vmem>> -> memref<112x128xf32, #tpu.memory_space<vmem>>
          %dma_start3A_190 = arith.constant 0 : i32
          %dma_start3A_191 = tpu.memref_slice %arg2[%min3A_185, %dma_start3A_190] : memref<50000x256xf32, #tpu.memory_space<hbm>> -> memref<112x128xf32, #tpu.memory_space<hbm>>
          %dma_start3A_192 = arith.constant 0 : i32
          %dma_start3A_193 = arith.constant 0 : i32
          %dma_start3A_194 = tpu.memref_slice %arg7[%rem3A_178, %dma_start3A_192, %dma_start3A_193] : memref<2x112x128xf32, #tpu.memory_space<vmem>> -> memref<1x112x128xf32, #tpu.memory_space<vmem>>
          %dma_start3A_195 = tpu.memref_squeeze %dma_start3A_194 : memref<1x112x128xf32, #tpu.memory_space<vmem>> -> memref<112x128xf32, #tpu.memory_space<vmem>>
          %dma_start3A_196 = arith.constant 0 : i32
          %dma_start3A_197 = tpu.memref_slice %arg2[%min3A_185, %dma_start3A_196] : memref<50000x256xf32, #tpu.memory_space<hbm>> -> memref<112x128xf32, #tpu.memory_space<hbm>>
          tpu.enqueue_dma source(%dma_start3A_197 : memref<112x128xf32, #tpu.memory_space<hbm>>) target(%dma_start3A_195 : memref<112x128xf32, #tpu.memory_space<vmem>>) target_semaphore(%arg17 : memref<!tpu.dma_semaphore, #tpu.memory_space<semaphore_mem>>)
          %rem3A_198 = arith.constant 2 : i32
          %rem3A_199 = arith.remsi %add3A_74, %rem3A_198 : i32
          %mul3A_200 = arith.constant 16 : i32
          %mul3A_201 = arith.muli %add3A_74, %mul3A_200 : i32
          %add3A_202 = arith.addi %mul3A_201, %arg1 : i32
          %mul3A_203 = arith.constant 112 : i32
          %mul3A_204 = arith.muli %add3A_202, %mul3A_203 : i32
          %min3A_205 = arith.constant 49888 : i32
          %min3A_206 = arith.minsi %mul3A_204, %min3A_205 : i32
          %dma_start3A_207 = arith.constant 0 : i32
          %dma_start3A_208 = arith.constant 0 : i32
          %dma_start3A_209 = tpu.memref_slice %arg8[%rem3A_199, %dma_start3A_207, %dma_start3A_208] : memref<2x112x128xf32, #tpu.memory_space<vmem>> -> memref<1x112x128xf32, #tpu.memory_space<vmem>>
          %dma_start3A_210 = tpu.memref_squeeze %dma_start3A_209 : memref<1x112x128xf32, #tpu.memory_space<vmem>> -> memref<112x128xf32, #tpu.memory_space<vmem>>
          %dma_start3A_211 = arith.constant 128 : i32
          %dma_start3A_212 = tpu.memref_slice %arg2[%min3A_206, %dma_start3A_211] : memref<50000x256xf32, #tpu.memory_space<hbm>> -> memref<112x128xf32, #tpu.memory_space<hbm>>
          %dma_start3A_213 = arith.constant 0 : i32
          %dma_start3A_214 = arith.constant 0 : i32
          %dma_start3A_215 = tpu.memref_slice %arg8[%rem3A_199, %dma_start3A_213, %dma_start3A_214] : memref<2x112x128xf32, #tpu.memory_space<vmem>> -> memref<1x112x128xf32, #tpu.memory_space<vmem>>
          %dma_start3A_216 = tpu.memref_squeeze %dma_start3A_215 : memref<1x112x128xf32, #tpu.memory_space<vmem>> -> memref<112x128xf32, #tpu.memory_space<vmem>>
          %dma_start3A_217 = arith.constant 128 : i32
          %dma_start3A_218 = tpu.memref_slice %arg2[%min3A_206, %dma_start3A_217] : memref<50000x256xf32, #tpu.memory_space<hbm>> -> memref<112x128xf32, #tpu.memory_space<hbm>>
          tpu.enqueue_dma source(%dma_start3A_218 : memref<112x128xf32, #tpu.memory_space<hbm>>) target(%dma_start3A_216 : memref<112x128xf32, #tpu.memory_space<vmem>>) target_semaphore(%arg18 : memref<!tpu.dma_semaphore, #tpu.memory_space<semaphore_mem>>)
          %get3A_219 = arith.index_cast %rem3A_118 : i32 to index
          %get3A_220 = arith.constant 0 : index
          %get3A_221 = tpu.vector_load %arg9[%get3A_219, %get3A_220] {strides = array<i32>} : memref<4x112xi32, #tpu.memory_space<vmem>>, vector<16xi32>,
          %get3A_222 = arith.index_cast %rem3A_118 : i32 to index
          %get3A_223 = arith.constant 0 : index
          %get3A_224 = tpu.vector_load %arg10[%get3A_222, %get3A_223] {strides = array<i32>} : memref<4x112xi32, #tpu.memory_space<vmem>>, vector<16xi32>,
          %mul3A_225 = arith.constant 32 : i32
          %mul3A_226 = vector.broadcast %mul3A_225 : i32 to vector<16xi32>
          %mul3A_227 = arith.muli %get3A_221, %mul3A_226 : vector<16xi32>
          %add3A_228 = arith.addi %mul3A_227, %get3A_224 : vector<16xi32>
          %sub3A_229 = vector.broadcast %mul3A_0 : i32 to vector<16xi32>
          %sub3A_230 = arith.subi %add3A_228, %sub3A_229 : vector<16xi32>
          %add3A_231 = arith.constant 0 : i32
          %add3A_232 = arith.addi %min3A_117, %add3A_231 : i32
          %add3A_233 = vector.broadcast %add3A_232 : i32 to vector<16xi32>
          %add3A_234 = arith.addi %add3A_233, %iota3A : vector<16xi32>
          %ge3A_235 = arith.constant 0 : i32
          %ge3A_236 = vector.broadcast %ge3A_235 : i32 to vector<16xi32>
          %ge3A_237 = arith.cmpi sge, %sub3A_230, %ge3A_236 : vector<16xi32>
          %lt3A_238 = arith.constant 4096 : i32
          %lt3A_239 = vector.broadcast %lt3A_238 : i32 to vector<16xi32>
          %lt3A_240 = arith.cmpi slt, %sub3A_230, %lt3A_239 : vector<16xi32>
          %and3A_241 = arith.andi %ge3A_237, %lt3A_240 : vector<16xi1>
          %mul3A_242 = arith.constant 112 : i32
          %mul3A_243 = arith.muli %add3A_110, %mul3A_242 : i32
          %ge3A_244 = vector.broadcast %mul3A_243 : i32 to vector<16xi32>
          %ge3A_245 = arith.cmpi sge, %add3A_234, %ge3A_244 : vector<16xi32>
          %and3A_246 = arith.andi %and3A_241, %ge3A_245 : vector<16xi1>
          %broadcast_in_dim3A = vector.broadcast %add3A_57 : i32 to vector<16xi32>
          %select_n3A = arith.select %and3A_246, %sub3A_230, %broadcast_in_dim3A : vector<16xi1>, vector<16xi32>
          %swap3A_247 = arith.index_cast %rem3A_118 : i32 to index
          %swap3A_248 = arith.constant 0 : index
          %swap3A_249 = tpu.vector_load %arg11[%swap3A_247, %swap3A_248] {strides = array<i32>} : memref<4x112xi32, #tpu.memory_space<vmem>>, vector<16xi32>,
          tpu.vector_store %arg11[%swap3A_247, %swap3A_248], %select_n3A {strides = array<i32>} : memref<4x112xi32, #tpu.memory_space<vmem>>, vector<16xi32>,
          %get3A_250 = arith.index_cast %rem3A_118 : i32 to index
          %get3A_251 = arith.constant 16 : index
          %get3A_252 = tpu.vector_load %arg9[%get3A_250, %get3A_251] {strides = array<i32>} : memref<4x112xi32, #tpu.memory_space<vmem>>, vector<16xi32>,
          %get3A_253 = arith.index_cast %rem3A_118 : i32 to index
          %get3A_254 = arith.constant 16 : index
          %get3A_255 = tpu.vector_load %arg10[%get3A_253, %get3A_254] {strides = array<i32>} : memref<4x112xi32, #tpu.memory_space<vmem>>, vector<16xi32>,
          %mul3A_256 = arith.constant 32 : i32
          %mul3A_257 = vector.broadcast %mul3A_256 : i32 to vector<16xi32>
          %mul3A_258 = arith.muli %get3A_252, %mul3A_257 : vector<16xi32>
          %add3A_259 = arith.addi %mul3A_258, %get3A_255 : vector<16xi32>
          %sub3A_260 = vector.broadcast %mul3A_0 : i32 to vector<16xi32>
          %sub3A_261 = arith.subi %add3A_259, %sub3A_260 : vector<16xi32>
          %add3A_262 = arith.constant 16 : i32
          %add3A_263 = arith.addi %min3A_117, %add3A_262 : i32
          %add3A_264 = vector.broadcast %add3A_263 : i32 to vector<16xi32>
          %add3A_265 = arith.addi %add3A_264, %iota3A : vector<16xi32>
          %ge3A_266 = arith.constant 0 : i32
          %ge3A_267 = vector.broadcast %ge3A_266 : i32 to vector<16xi32>
          %ge3A_268 = arith.cmpi sge, %sub3A_261, %ge3A_267 : vector<16xi32>
          %lt3A_269 = arith.constant 4096 : i32
          %lt3A_270 = vector.broadcast %lt3A_269 : i32 to vector<16xi32>
          %lt3A_271 = arith.cmpi slt, %sub3A_261, %lt3A_270 : vector<16xi32>
          %and3A_272 = arith.andi %ge3A_268, %lt3A_271 : vector<16xi1>
          %mul3A_273 = arith.constant 112 : i32
          %mul3A_274 = arith.muli %add3A_110, %mul3A_273 : i32
          %ge3A_275 = vector.broadcast %mul3A_274 : i32 to vector<16xi32>
          %ge3A_276 = arith.cmpi sge, %add3A_265, %ge3A_275 : vector<16xi32>
          %and3A_277 = arith.andi %and3A_272, %ge3A_276 : vector<16xi1>
          %broadcast_in_dim3A_278 = vector.broadcast %add3A_57 : i32 to vector<16xi32>
          %select_n3A_279 = arith.select %and3A_277, %sub3A_261, %broadcast_in_dim3A_278 : vector<16xi1>, vector<16xi32>
          %swap3A_280 = arith.index_cast %rem3A_118 : i32 to index
          %swap3A_281 = arith.constant 16 : index
          %swap3A_282 = tpu.vector_load %arg11[%swap3A_280, %swap3A_281] {strides = array<i32>} : memref<4x112xi32, #tpu.memory_space<vmem>>, vector<16xi32>,
          tpu.vector_store %arg11[%swap3A_280, %swap3A_281], %select_n3A_279 {strides = array<i32>} : memref<4x112xi32, #tpu.memory_space<vmem>>, vector<16xi32>,
          %get3A_283 = arith.index_cast %rem3A_118 : i32 to index
          %get3A_284 = arith.constant 32 : index
          %get3A_285 = tpu.vector_load %arg9[%get3A_283, %get3A_284] {strides = array<i32>} : memref<4x112xi32, #tpu.memory_space<vmem>>, vector<16xi32>,
          %get3A_286 = arith.index_cast %rem3A_118 : i32 to index
          %get3A_287 = arith.constant 32 : index
          %get3A_288 = tpu.vector_load %arg10[%get3A_286, %get3A_287] {strides = array<i32>} : memref<4x112xi32, #tpu.memory_space<vmem>>, vector<16xi32>,
          %mul3A_289 = arith.constant 32 : i32
          %mul3A_290 = vector.broadcast %mul3A_289 : i32 to vector<16xi32>
          %mul3A_291 = arith.muli %get3A_285, %mul3A_290 : vector<16xi32>
          %add3A_292 = arith.addi %mul3A_291, %get3A_288 : vector<16xi32>
          %sub3A_293 = vector.broadcast %mul3A_0 : i32 to vector<16xi32>
          %sub3A_294 = arith.subi %add3A_292, %sub3A_293 : vector<16xi32>
          %add3A_295 = arith.constant 32 : i32
          %add3A_296 = arith.addi %min3A_117, %add3A_295 : i32
          %add3A_297 = vector.broadcast %add3A_296 : i32 to vector<16xi32>
          %add3A_298 = arith.addi %add3A_297, %iota3A : vector<16xi32>
          %ge3A_299 = arith.constant 0 : i32
          %ge3A_300 = vector.broadcast %ge3A_299 : i32 to vector<16xi32>
          %ge3A_301 = arith.cmpi sge, %sub3A_294, %ge3A_300 : vector<16xi32>
          %lt3A_302 = arith.constant 4096 : i32
          %lt3A_303 = vector.broadcast %lt3A_302 : i32 to vector<16xi32>
          %lt3A_304 = arith.cmpi slt, %sub3A_294, %lt3A_303 : vector<16xi32>
          %and3A_305 = arith.andi %ge3A_301, %lt3A_304 : vector<16xi1>
          %mul3A_306 = arith.constant 112 : i32
          %mul3A_307 = arith.muli %add3A_110, %mul3A_306 : i32
          %ge3A_308 = vector.broadcast %mul3A_307 : i32 to vector<16xi32>
          %ge3A_309 = arith.cmpi sge, %add3A_298, %ge3A_308 : vector<16xi32>
          %and3A_310 = arith.andi %and3A_305, %ge3A_309 : vector<16xi1>
          %broadcast_in_dim3A_311 = vector.broadcast %add3A_57 : i32 to vector<16xi32>
          %select_n3A_312 = arith.select %and3A_310, %sub3A_294, %broadcast_in_dim3A_311 : vector<16xi1>, vector<16xi32>
          %swap3A_313 = arith.index_cast %rem3A_118 : i32 to index
          %swap3A_314 = arith.constant 32 : index
          %swap3A_315 = tpu.vector_load %arg11[%swap3A_313, %swap3A_314] {strides = array<i32>} : memref<4x112xi32, #tpu.memory_space<vmem>>, vector<16xi32>,
          tpu.vector_store %arg11[%swap3A_313, %swap3A_314], %select_n3A_312 {strides = array<i32>} : memref<4x112xi32, #tpu.memory_space<vmem>>, vector<16xi32>,
          %get3A_316 = arith.index_cast %rem3A_118 : i32 to index
          %get3A_317 = arith.constant 48 : index
          %get3A_318 = tpu.vector_load %arg9[%get3A_316, %get3A_317] {strides = array<i32>} : memref<4x112xi32, #tpu.memory_space<vmem>>, vector<16xi32>,
          %get3A_319 = arith.index_cast %rem3A_118 : i32 to index
          %get3A_320 = arith.constant 48 : index
          %get3A_321 = tpu.vector_load %arg10[%get3A_319, %get3A_320] {strides = array<i32>} : memref<4x112xi32, #tpu.memory_space<vmem>>, vector<16xi32>,
          %mul3A_322 = arith.constant 32 : i32
          %mul3A_323 = vector.broadcast %mul3A_322 : i32 to vector<16xi32>
          %mul3A_324 = arith.muli %get3A_318, %mul3A_323 : vector<16xi32>
          %add3A_325 = arith.addi %mul3A_324, %get3A_321 : vector<16xi32>
          %sub3A_326 = vector.broadcast %mul3A_0 : i32 to vector<16xi32>
          %sub3A_327 = arith.subi %add3A_325, %sub3A_326 : vector<16xi32>
          %add3A_328 = arith.constant 48 : i32
          %add3A_329 = arith.addi %min3A_117, %add3A_328 : i32
          %add3A_330 = vector.broadcast %add3A_329 : i32 to vector<16xi32>
          %add3A_331 = arith.addi %add3A_330, %iota3A : vector<16xi32>
          %ge3A_332 = arith.constant 0 : i32
          %ge3A_333 = vector.broadcast %ge3A_332 : i32 to vector<16xi32>
          %ge3A_334 = arith.cmpi sge, %sub3A_327, %ge3A_333 : vector<16xi32>
          %lt3A_335 = arith.constant 4096 : i32
          %lt3A_336 = vector.broadcast %lt3A_335 : i32 to vector<16xi32>
          %lt3A_337 = arith.cmpi slt, %sub3A_327, %lt3A_336 : vector<16xi32>
          %and3A_338 = arith.andi %ge3A_334, %lt3A_337 : vector<16xi1>
          %mul3A_339 = arith.constant 112 : i32
          %mul3A_340 = arith.muli %add3A_110, %mul3A_339 : i32
          %ge3A_341 = vector.broadcast %mul3A_340 : i32 to vector<16xi32>
          %ge3A_342 = arith.cmpi sge, %add3A_331, %ge3A_341 : vector<16xi32>
          %and3A_343 = arith.andi %and3A_338, %ge3A_342 : vector<16xi1>
          %broadcast_in_dim3A_344 = vector.broadcast %add3A_57 : i32 to vector<16xi32>
          %select_n3A_345 = arith.select %and3A_343, %sub3A_327, %broadcast_in_dim3A_344 : vector<16xi1>, vector<16xi32>
          %swap3A_346 = arith.index_cast %rem3A_118 : i32 to index
          %swap3A_347 = arith.constant 48 : index
          %swap3A_348 = tpu.vector_load %arg11[%swap3A_346, %swap3A_347] {strides = array<i32>} : memref<4x112xi32, #tpu.memory_space<vmem>>, vector<16xi32>,
          tpu.vector_store %arg11[%swap3A_346, %swap3A_347], %select_n3A_345 {strides = array<i32>} : memref<4x112xi32, #tpu.memory_space<vmem>>, vector<16xi32>,
          %get3A_349 = arith.index_cast %rem3A_118 : i32 to index
          %get3A_350 = arith.constant 64 : index
          %get3A_351 = tpu.vector_load %arg9[%get3A_349, %get3A_350] {strides = array<i32>} : memref<4x112xi32, #tpu.memory_space<vmem>>, vector<16xi32>,
          %get3A_352 = arith.index_cast %rem3A_118 : i32 to index
          %get3A_353 = arith.constant 64 : index
          %get3A_354 = tpu.vector_load %arg10[%get3A_352, %get3A_353] {strides = array<i32>} : memref<4x112xi32, #tpu.memory_space<vmem>>, vector<16xi32>,
          %mul3A_355 = arith.constant 32 : i32
          %mul3A_356 = vector.broadcast %mul3A_355 : i32 to vector<16xi32>
          %mul3A_357 = arith.muli %get3A_351, %mul3A_356 : vector<16xi32>
          %add3A_358 = arith.addi %mul3A_357, %get3A_354 : vector<16xi32>
          %sub3A_359 = vector.broadcast %mul3A_0 : i32 to vector<16xi32>
          %sub3A_360 = arith.subi %add3A_358, %sub3A_359 : vector<16xi32>
          %add3A_361 = arith.constant 64 : i32
          %add3A_362 = arith.addi %min3A_117, %add3A_361 : i32
          %add3A_363 = vector.broadcast %add3A_362 : i32 to vector<16xi32>
          %add3A_364 = arith.addi %add3A_363, %iota3A : vector<16xi32>
          %ge3A_365 = arith.constant 0 : i32
          %ge3A_366 = vector.broadcast %ge3A_365 : i32 to vector<16xi32>
          %ge3A_367 = arith.cmpi sge, %sub3A_360, %ge3A_366 : vector<16xi32>
          %lt3A_368 = arith.constant 4096 : i32
          %lt3A_369 = vector.broadcast %lt3A_368 : i32 to vector<16xi32>
          %lt3A_370 = arith.cmpi slt, %sub3A_360, %lt3A_369 : vector<16xi32>
          %and3A_371 = arith.andi %ge3A_367, %lt3A_370 : vector<16xi1>
          %mul3A_372 = arith.constant 112 : i32
          %mul3A_373 = arith.muli %add3A_110, %mul3A_372 : i32
          %ge3A_374 = vector.broadcast %mul3A_373 : i32 to vector<16xi32>
          %ge3A_375 = arith.cmpi sge, %add3A_364, %ge3A_374 : vector<16xi32>
          %and3A_376 = arith.andi %and3A_371, %ge3A_375 : vector<16xi1>
          %broadcast_in_dim3A_377 = vector.broadcast %add3A_57 : i32 to vector<16xi32>
          %select_n3A_378 = arith.select %and3A_376, %sub3A_360, %broadcast_in_dim3A_377 : vector<16xi1>, vector<16xi32>
          %swap3A_379 = arith.index_cast %rem3A_118 : i32 to index
          %swap3A_380 = arith.constant 64 : index
          %swap3A_381 = tpu.vector_load %arg11[%swap3A_379, %swap3A_380] {strides = array<i32>} : memref<4x112xi32, #tpu.memory_space<vmem>>, vector<16xi32>,
          tpu.vector_store %arg11[%swap3A_379, %swap3A_380], %select_n3A_378 {strides = array<i32>} : memref<4x112xi32, #tpu.memory_space<vmem>>, vector<16xi32>,
          %get3A_382 = arith.index_cast %rem3A_118 : i32 to index
          %get3A_383 = arith.constant 80 : index
          %get3A_384 = tpu.vector_load %arg9[%get3A_382, %get3A_383] {strides = array<i32>} : memref<4x112xi32, #tpu.memory_space<vmem>>, vector<16xi32>,
          %get3A_385 = arith.index_cast %rem3A_118 : i32 to index
          %get3A_386 = arith.constant 80 : index
          %get3A_387 = tpu.vector_load %arg10[%get3A_385, %get3A_386] {strides = array<i32>} : memref<4x112xi32, #tpu.memory_space<vmem>>, vector<16xi32>,
          %mul3A_388 = arith.constant 32 : i32
          %mul3A_389 = vector.broadcast %mul3A_388 : i32 to vector<16xi32>
          %mul3A_390 = arith.muli %get3A_384, %mul3A_389 : vector<16xi32>
          %add3A_391 = arith.addi %mul3A_390, %get3A_387 : vector<16xi32>
          %sub3A_392 = vector.broadcast %mul3A_0 : i32 to vector<16xi32>
          %sub3A_393 = arith.subi %add3A_391, %sub3A_392 : vector<16xi32>
          %add3A_394 = arith.constant 80 : i32
          %add3A_395 = arith.addi %min3A_117, %add3A_394 : i32
          %add3A_396 = vector.broadcast %add3A_395 : i32 to vector<16xi32>
          %add3A_397 = arith.addi %add3A_396, %iota3A : vector<16xi32>
          %ge3A_398 = arith.constant 0 : i32
          %ge3A_399 = vector.broadcast %ge3A_398 : i32 to vector<16xi32>
          %ge3A_400 = arith.cmpi sge, %sub3A_393, %ge3A_399 : vector<16xi32>
          %lt3A_401 = arith.constant 4096 : i32
          %lt3A_402 = vector.broadcast %lt3A_401 : i32 to vector<16xi32>
          %lt3A_403 = arith.cmpi slt, %sub3A_393, %lt3A_402 : vector<16xi32>
          %and3A_404 = arith.andi %ge3A_400, %lt3A_403 : vector<16xi1>
          %mul3A_405 = arith.constant 112 : i32
          %mul3A_406 = arith.muli %add3A_110, %mul3A_405 : i32
          %ge3A_407 = vector.broadcast %mul3A_406 : i32 to vector<16xi32>
          %ge3A_408 = arith.cmpi sge, %add3A_397, %ge3A_407 : vector<16xi32>
          %and3A_409 = arith.andi %and3A_404, %ge3A_408 : vector<16xi1>
          %broadcast_in_dim3A_410 = vector.broadcast %add3A_57 : i32 to vector<16xi32>
          %select_n3A_411 = arith.select %and3A_409, %sub3A_393, %broadcast_in_dim3A_410 : vector<16xi1>, vector<16xi32>
          %swap3A_412 = arith.index_cast %rem3A_118 : i32 to index
          %swap3A_413 = arith.constant 80 : index
          %swap3A_414 = tpu.vector_load %arg11[%swap3A_412, %swap3A_413] {strides = array<i32>} : memref<4x112xi32, #tpu.memory_space<vmem>>, vector<16xi32>,
          tpu.vector_store %arg11[%swap3A_412, %swap3A_413], %select_n3A_411 {strides = array<i32>} : memref<4x112xi32, #tpu.memory_space<vmem>>, vector<16xi32>,
          %get3A_415 = arith.index_cast %rem3A_118 : i32 to index
          %get3A_416 = arith.constant 96 : index
          %get3A_417 = tpu.vector_load %arg9[%get3A_415, %get3A_416] {strides = array<i32>} : memref<4x112xi32, #tpu.memory_space<vmem>>, vector<16xi32>,
          %get3A_418 = arith.index_cast %rem3A_118 : i32 to index
          %get3A_419 = arith.constant 96 : index
          %get3A_420 = tpu.vector_load %arg10[%get3A_418, %get3A_419] {strides = array<i32>} : memref<4x112xi32, #tpu.memory_space<vmem>>, vector<16xi32>,
          %mul3A_421 = arith.constant 32 : i32
          %mul3A_422 = vector.broadcast %mul3A_421 : i32 to vector<16xi32>
          %mul3A_423 = arith.muli %get3A_417, %mul3A_422 : vector<16xi32>
          %add3A_424 = arith.addi %mul3A_423, %get3A_420 : vector<16xi32>
          %sub3A_425 = vector.broadcast %mul3A_0 : i32 to vector<16xi32>
          %sub3A_426 = arith.subi %add3A_424, %sub3A_425 : vector<16xi32>
          %add3A_427 = arith.constant 96 : i32
          %add3A_428 = arith.addi %min3A_117, %add3A_427 : i32
          %add3A_429 = vector.broadcast %add3A_428 : i32 to vector<16xi32>
          %add3A_430 = arith.addi %add3A_429, %iota3A : vector<16xi32>
          %ge3A_431 = arith.constant 0 : i32
          %ge3A_432 = vector.broadcast %ge3A_431 : i32 to vector<16xi32>
          %ge3A_433 = arith.cmpi sge, %sub3A_426, %ge3A_432 : vector<16xi32>
          %lt3A_434 = arith.constant 4096 : i32
          %lt3A_435 = vector.broadcast %lt3A_434 : i32 to vector<16xi32>
          %lt3A_436 = arith.cmpi slt, %sub3A_426, %lt3A_435 : vector<16xi32>
          %and3A_437 = arith.andi %ge3A_433, %lt3A_436 : vector<16xi1>
          %mul3A_438 = arith.constant 112 : i32
          %mul3A_439 = arith.muli %add3A_110, %mul3A_438 : i32
          %ge3A_440 = vector.broadcast %mul3A_439 : i32 to vector<16xi32>
          %ge3A_441 = arith.cmpi sge, %add3A_430, %ge3A_440 : vector<16xi32>
          %and3A_442 = arith.andi %and3A_437, %ge3A_441 : vector<16xi1>
          %broadcast_in_dim3A_443 = vector.broadcast %add3A_57 : i32 to vector<16xi32>
          %select_n3A_444 = arith.select %and3A_442, %sub3A_426, %broadcast_in_dim3A_443 : vector<16xi1>, vector<16xi32>
          %swap3A_445 = arith.index_cast %rem3A_118 : i32 to index
          %swap3A_446 = arith.constant 96 : index
          %swap3A_447 = tpu.vector_load %arg11[%swap3A_445, %swap3A_446] {strides = array<i32>} : memref<4x112xi32, #tpu.memory_space<vmem>>, vector<16xi32>,
          tpu.vector_store %arg11[%swap3A_445, %swap3A_446], %select_n3A_444 {strides = array<i32>} : memref<4x112xi32, #tpu.memory_space<vmem>>, vector<16xi32>,
        } else {
        }
      } else {
      }
      %ge3A_92 = arith.constant 1 : i32
      %ge3A_93 = arith.cmpi sge, %add3A_74, %ge3A_92 : i32
      %le3A = arith.constant 28 : i32
      %le3A_94 = arith.cmpi sle, %add3A_74, %le3A : i32
      %and3A_95 = arith.andi %ge3A_93, %le3A_94 : i1
      %sub3A_96 = arith.constant 1 : i32
      %sub3A_97 = arith.subi %add3A_74, %sub3A_96 : i32
      %max3A_98 = arith.constant 0 : i32
      %max3A_99 = arith.maxsi %sub3A_97, %max3A_98 : i32
      %get3A_100 = arith.index_cast %max3A_99 : i32 to index
      %get3A_101 = memref.load %arg12[%get3A_100] : memref<28xi32, #tpu.memory_space<smem>>
      %eq3A_102 = arith.constant 1 : i32
      %eq3A_103 = arith.cmpi eq, %get3A_101, %eq3A_102 : i32
      %and3A_104 = arith.andi %and3A_95, %eq3A_103 : i1
      %convert_element_type3A_105 = arith.extui %and3A_104 : i1 to i32
      %cond3A_106 = arith.constant 0 : i32
      %cond3A_107 = arith.cmpi ne, %convert_element_type3A_105, %cond3A_106 : i32
      scf.if %cond3A_107 {
        %sub3A_108 = arith.constant 1 : i32
        %sub3A_109 = arith.subi %add3A_74, %sub3A_108 : i32
        %rem3A = arith.constant 2 : i32
        %rem3A_110 = arith.remsi %sub3A_109, %rem3A : i32
        %mul3A_111 = arith.constant 16 : i32
        %mul3A_112 = arith.muli %sub3A_109, %mul3A_111 : i32
        %add3A_113 = arith.addi %mul3A_112, %arg1 : i32
        %mul3A_114 = arith.constant 112 : i32
        %mul3A_115 = arith.muli %add3A_113, %mul3A_114 : i32
        %min3A_116 = arith.constant 49888 : i32
        %min3A_117 = arith.minsi %mul3A_115, %min3A_116 : i32
        %dma_wait3A_118 = arith.constant 0 : i32
        %dma_wait3A_119 = arith.constant 0 : i32
        %dma_wait3A_120 = tpu.memref_slice %arg7[%rem3A_110, %dma_wait3A_118, %dma_wait3A_119] : memref<2x112x128xf32, #tpu.memory_space<vmem>> -> memref<1x112x128xf32, #tpu.memory_space<vmem>>
        %dma_wait3A_121 = tpu.memref_squeeze %dma_wait3A_120 : memref<1x112x128xf32, #tpu.memory_space<vmem>> -> memref<112x128xf32, #tpu.memory_space<vmem>>
        %dma_wait3A_122 = arith.constant 0 : i32
        %dma_wait3A_123 = tpu.memref_slice %arg2[%min3A_117, %dma_wait3A_122] : memref<50000x256xf32, #tpu.memory_space<hbm>> -> memref<112x128xf32, #tpu.memory_space<hbm>>
        %dma_wait3A_124 = arith.constant 0 : i32
        %dma_wait3A_125 = arith.constant 0 : i32
        %dma_wait3A_126 = tpu.memref_slice %arg7[%rem3A_110, %dma_wait3A_124, %dma_wait3A_125] : memref<2x112x128xf32, #tpu.memory_space<vmem>> -> memref<1x112x128xf32, #tpu.memory_space<vmem>>
        %dma_wait3A_127 = tpu.memref_squeeze %dma_wait3A_126 : memref<1x112x128xf32, #tpu.memory_space<vmem>> -> memref<112x128xf32, #tpu.memory_space<vmem>>
        %dma_wait3A_128 = arith.constant 0 : i32
        %dma_wait3A_129 = tpu.memref_slice %arg2[%min3A_117, %dma_wait3A_128] : memref<50000x256xf32, #tpu.memory_space<hbm>> -> memref<112x128xf32, #tpu.memory_space<hbm>>
        tpu.wait_dma2 semaphore(%arg17 : memref<!tpu.dma_semaphore, #tpu.memory_space<semaphore_mem>>) src(%dma_wait3A_129 : memref<112x128xf32, #tpu.memory_space<hbm>>) dst(%dma_wait3A_127 : memref<112x128xf32, #tpu.memory_space<vmem>>)
        %sub3A_130 = arith.constant 1 : i32
        %sub3A_131 = arith.subi %add3A_74, %sub3A_130 : i32
        %rem3A_132 = arith.constant 2 : i32
        %rem3A_133 = arith.remsi %sub3A_131, %rem3A_132 : i32
        %mul3A_134 = arith.constant 16 : i32
        %mul3A_135 = arith.muli %sub3A_131, %mul3A_134 : i32
        %add3A_136 = arith.addi %mul3A_135, %arg1 : i32
        %mul3A_137 = arith.constant 112 : i32
        %mul3A_138 = arith.muli %add3A_136, %mul3A_137 : i32
        %min3A_139 = arith.constant 49888 : i32
        %min3A_140 = arith.minsi %mul3A_138, %min3A_139 : i32
        %dma_wait3A_141 = arith.constant 0 : i32
        %dma_wait3A_142 = arith.constant 0 : i32
        %dma_wait3A_143 = tpu.memref_slice %arg8[%rem3A_133, %dma_wait3A_141, %dma_wait3A_142] : memref<2x112x128xf32, #tpu.memory_space<vmem>> -> memref<1x112x128xf32, #tpu.memory_space<vmem>>
        %dma_wait3A_144 = tpu.memref_squeeze %dma_wait3A_143 : memref<1x112x128xf32, #tpu.memory_space<vmem>> -> memref<112x128xf32, #tpu.memory_space<vmem>>
        %dma_wait3A_145 = arith.constant 128 : i32
        %dma_wait3A_146 = tpu.memref_slice %arg2[%min3A_140, %dma_wait3A_145] : memref<50000x256xf32, #tpu.memory_space<hbm>> -> memref<112x128xf32, #tpu.memory_space<hbm>>
        %dma_wait3A_147 = arith.constant 0 : i32
        %dma_wait3A_148 = arith.constant 0 : i32
        %dma_wait3A_149 = tpu.memref_slice %arg8[%rem3A_133, %dma_wait3A_147, %dma_wait3A_148] : memref<2x112x128xf32, #tpu.memory_space<vmem>> -> memref<1x112x128xf32, #tpu.memory_space<vmem>>
        %dma_wait3A_150 = tpu.memref_squeeze %dma_wait3A_149 : memref<1x112x128xf32, #tpu.memory_space<vmem>> -> memref<112x128xf32, #tpu.memory_space<vmem>>
        %dma_wait3A_151 = arith.constant 128 : i32
        %dma_wait3A_152 = tpu.memref_slice %arg2[%min3A_140, %dma_wait3A_151] : memref<50000x256xf32, #tpu.memory_space<hbm>> -> memref<112x128xf32, #tpu.memory_space<hbm>>
        tpu.wait_dma2 semaphore(%arg18 : memref<!tpu.dma_semaphore, #tpu.memory_space<semaphore_mem>>) src(%dma_wait3A_152 : memref<112x128xf32, #tpu.memory_space<hbm>>) dst(%dma_wait3A_150 : memref<112x128xf32, #tpu.memory_space<vmem>>)
        %sub3A_153 = arith.constant 1 : i32
        %sub3A_154 = arith.subi %add3A_74, %sub3A_153 : i32
        %rem3A_155 = arith.constant 2 : i32
        %rem3A_156 = arith.remsi %sub3A_154, %rem3A_155 : i32
        %rem3A_157 = arith.constant 4 : i32
        %rem3A_158 = arith.remsi %sub3A_154, %rem3A_157 : i32
        %dma_start3A_159 = arith.constant 0 : i32
        %dma_start3A_160 = arith.constant 0 : i32
        %dma_start3A_161 = tpu.memref_slice %arg7[%rem3A_156, %dma_start3A_159, %dma_start3A_160] : memref<2x112x128xf32, #tpu.memory_space<vmem>> -> memref<1x112x128xf32, #tpu.memory_space<vmem>>
        %dma_start3A_162 = tpu.memref_squeeze %dma_start3A_161 : memref<1x112x128xf32, #tpu.memory_space<vmem>> -> memref<112x128xf32, #tpu.memory_space<vmem>>
        %dma_start3A_163 = arith.constant 0 : i32
        %dma_start3A_164 = tpu.memref_slice %arg11[%rem3A_158, %dma_start3A_163] : memref<4x112xi32, #tpu.memory_space<vmem>> -> memref<1x112xi32, #tpu.memory_space<vmem>>
        %dma_start3A_165 = tpu.memref_squeeze %dma_start3A_164 : memref<1x112xi32, #tpu.memory_space<vmem>> -> memref<112xi32, #tpu.memory_space<vmem>>
        %dma_start3A_166 = arith.constant 0 : i32
        %dma_start3A_167 = arith.constant 0 : i32
        %dma_start3A_168 = tpu.memref_slice %arg13[%dma_start3A_166, %dma_start3A_167] : memref<4112x128xf32, #tpu.memory_space<vmem_shared>> -> memref<4112x128xf32, #tpu.memory_space<vmem_shared>>
        tpu.enqueue_indirect_dma source(%dma_start3A_162 : memref<112x128xf32, #tpu.memory_space<vmem>>) target(%dma_start3A_168 : memref<4112x128xf32, #tpu.memory_space<vmem_shared>>) offsets(%dma_start3A_165 : memref<112xi32, #tpu.memory_space<vmem>>) semaphore(%arg19 : memref<!tpu.dma_semaphore, #tpu.memory_space<semaphore_mem>>) {add = true}
        %sub3A_169 = arith.constant 1 : i32
        %sub3A_170 = arith.subi %add3A_74, %sub3A_169 : i32
        %rem3A_171 = arith.constant 2 : i32
        %rem3A_172 = arith.remsi %sub3A_170, %rem3A_171 : i32
        %rem3A_173 = arith.constant 4 : i32
        %rem3A_174 = arith.remsi %sub3A_170, %rem3A_173 : i32
        %dma_start3A_175 = arith.constant 0 : i32
        %dma_start3A_176 = arith.constant 0 : i32
        %dma_start3A_177 = tpu.memref_slice %arg8[%rem3A_172, %dma_start3A_175, %dma_start3A_176] : memref<2x112x128xf32, #tpu.memory_space<vmem>> -> memref<1x112x128xf32, #tpu.memory_space<vmem>>
        %dma_start3A_178 = tpu.memref_squeeze %dma_start3A_177 : memref<1x112x128xf32, #tpu.memory_space<vmem>> -> memref<112x128xf32, #tpu.memory_space<vmem>>
        %dma_start3A_179 = arith.constant 0 : i32
        %dma_start3A_180 = tpu.memref_slice %arg11[%rem3A_174, %dma_start3A_179] : memref<4x112xi32, #tpu.memory_space<vmem>> -> memref<1x112xi32, #tpu.memory_space<vmem>>
        %dma_start3A_181 = tpu.memref_squeeze %dma_start3A_180 : memref<1x112xi32, #tpu.memory_space<vmem>> -> memref<112xi32, #tpu.memory_space<vmem>>
        %dma_start3A_182 = arith.constant 0 : i32
        %dma_start3A_183 = arith.constant 0 : i32
        %dma_start3A_184 = tpu.memref_slice %arg14[%dma_start3A_182, %dma_start3A_183] : memref<4112x128xf32, #tpu.memory_space<vmem_shared>> -> memref<4112x128xf32, #tpu.memory_space<vmem_shared>>
        tpu.enqueue_indirect_dma source(%dma_start3A_178 : memref<112x128xf32, #tpu.memory_space<vmem>>) target(%dma_start3A_184 : memref<4112x128xf32, #tpu.memory_space<vmem_shared>>) offsets(%dma_start3A_181 : memref<112xi32, #tpu.memory_space<vmem>>) semaphore(%arg20 : memref<!tpu.dma_semaphore, #tpu.memory_space<semaphore_mem>>) {add = true}
      } else {
      }
    }
    %scan3A_64 = arith.constant 30 : i32
    %barrier3A_65 = arith.constant 0 : index
    tpu.barrier barrier_id(%barrier3A_65)
    %mul3A_66 = arith.constant 256 : i32
    %mul3A_67 = arith.muli %arg1, %mul3A_66 : i32
    %add3A_68 = arith.addi %mul3A_0, %mul3A_67 : i32
    "tpu.region"() ({
      %run_scoped3A = tpu.sem_alloc : memref<!tpu.dma_semaphore, #tpu.memory_space<semaphore_mem>>
      %dma_start3A_70 = arith.constant 0 : i32
      %dma_start3A_71 = tpu.memref_slice %arg6[%add3A_68, %dma_start3A_70] : memref<8192x256xf32, #tpu.memory_space<hbm>> -> memref<256x128xf32, #tpu.memory_space<hbm>>
      %dma_start3A_72 = arith.constant 0 : i32
      %dma_start3A_73 = tpu.memref_slice %arg13[%mul3A_67, %dma_start3A_72] : memref<4112x128xf32, #tpu.memory_space<vmem_shared>> -> memref<256x128xf32, #tpu.memory_space<vmem_shared>>
      tpu.enqueue_dma source(%dma_start3A_73 : memref<256x128xf32, #tpu.memory_space<vmem_shared>>) target(%dma_start3A_71 : memref<256x128xf32, #tpu.memory_space<hbm>>) target_semaphore(%run_scoped3A : memref<!tpu.dma_semaphore, #tpu.memory_space<semaphore_mem>>)
      %dma_wait3A_74 = arith.constant 0 : i32
      %dma_wait3A_75 = tpu.memref_slice %arg6[%add3A_68, %dma_wait3A_74] : memref<8192x256xf32, #tpu.memory_space<hbm>> -> memref<256x128xf32, #tpu.memory_space<hbm>>
      %dma_wait3A_76 = arith.constant 0 : i32
      %dma_wait3A_77 = tpu.memref_slice %arg13[%mul3A_67, %dma_wait3A_76] : memref<4112x128xf32, #tpu.memory_space<vmem_shared>> -> memref<256x128xf32, #tpu.memory_space<vmem_shared>>
      tpu.wait_dma2 semaphore(%run_scoped3A : memref<!tpu.dma_semaphore, #tpu.memory_space<semaphore_mem>>) src(%dma_wait3A_77 : memref<256x128xf32, #tpu.memory_space<vmem_shared>>) dst(%dma_wait3A_75 : memref<256x128xf32, #tpu.memory_space<hbm>>)
      tpu.yield
    }) : () -> ()
    %add3A_69 = arith.addi %mul3A_0, %mul3A_67 : i32
    "tpu.region"() ({
      %run_scoped3A = tpu.sem_alloc : memref<!tpu.dma_semaphore, #tpu.memory_space<semaphore_mem>>
      %dma_start3A_70 = arith.constant 128 : i32
      %dma_start3A_71 = tpu.memref_slice %arg6[%add3A_69, %dma_start3A_70] : memref<8192x256xf32, #tpu.memory_space<hbm>> -> memref<256x128xf32, #tpu.memory_space<hbm>>
      %dma_start3A_72 = arith.constant 0 : i32
      %dma_start3A_73 = tpu.memref_slice %arg14[%mul3A_67, %dma_start3A_72] : memref<4112x128xf32, #tpu.memory_space<vmem_shared>> -> memref<256x128xf32, #tpu.memory_space<vmem_shared>>
      tpu.enqueue_dma source(%dma_start3A_73 : memref<256x128xf32, #tpu.memory_space<vmem_shared>>) target(%dma_start3A_71 : memref<256x128xf32, #tpu.memory_space<hbm>>) target_semaphore(%run_scoped3A : memref<!tpu.dma_semaphore, #tpu.memory_space<semaphore_mem>>)
      %dma_wait3A_74 = arith.constant 128 : i32
      %dma_wait3A_75 = tpu.memref_slice %arg6[%add3A_69, %dma_wait3A_74] : memref<8192x256xf32, #tpu.memory_space<hbm>> -> memref<256x128xf32, #tpu.memory_space<hbm>>
      %dma_wait3A_76 = arith.constant 0 : i32
      %dma_wait3A_77 = tpu.memref_slice %arg14[%mul3A_67, %dma_wait3A_76] : memref<4112x128xf32, #tpu.memory_space<vmem_shared>> -> memref<256x128xf32, #tpu.memory_space<vmem_shared>>
      tpu.wait_dma2 semaphore(%run_scoped3A : memref<!tpu.dma_semaphore, #tpu.memory_space<semaphore_mem>>) src(%dma_wait3A_77 : memref<256x128xf32, #tpu.memory_space<vmem_shared>>) dst(%dma_wait3A_75 : memref<256x128xf32, #tpu.memory_space<hbm>>)
      tpu.yield
    }) : () -> ()
    return
  }
}

module attributes {stable_mosaic.version = 14 : i64} {
  func.func @_numc_body(%arg0: i32, %arg1: memref<8x128xi32, #tpu.memory_space<vmem>>, %arg2: memref<8x128xi32, #tpu.memory_space<vmem>>, %arg3: memref<1x256xf32, #tpu.memory_space<vmem>>, %arg4: memref<1x256xi32, #tpu.memory_space<vmem>>) attributes {dimension_semantics = [#tpu.dimension_semantics<arbitrary>], iteration_bounds = array<i64: 49>, scalar_prefetch = 0 : i64, scratch_operands = 1 : i64, tpu.core_type = #tpu.core_type<tc>, window_params = [{transform_indices = @transform_0, window_bounds = array<i64: 8, 128>}, {transform_indices = @transform_1, window_bounds = array<i64: 8, 128>}, {pipeline_mode = #tpu.pipeline_mode<synchronous>, transform_indices = @transform_2, window_bounds = array<i64: 1, 256>}]} {
    %eq3A = arith.constant 0 : i32
    %eq3A_0 = arith.cmpi eq, %arg0, %eq3A : i32
    %convert_element_type3A = arith.extui %eq3A_0 : i1 to i32
    %cond3A = arith.constant 0 : i32
    %cond3A_1 = arith.cmpi ne, %convert_element_type3A, %cond3A : i32
    scf.if %cond3A_1 {
      %broadcast_in_dim3A_124 = arith.constant -1 : i32
      %broadcast_in_dim3A_125 = vector.broadcast %broadcast_in_dim3A_124 : i32 to vector<1x256xi32>
      %swap3A_126 = arith.constant 0 : index
      %swap3A_127 = arith.constant 0 : index
      %swap3A_128 = vector.load %arg4[%swap3A_126, %swap3A_127] : memref<1x256xi32, #tpu.memory_space<vmem>>, vector<1x256xi32>
      tpu.vector_store %arg4[%swap3A_126, %swap3A_127], %broadcast_in_dim3A_125 {strides = array<i32>} : memref<1x256xi32, #tpu.memory_space<vmem>>, vector<1x256xi32>,
    } else {
    }
    %iota3A = tpu.iota {dimensions = array<i32: 1>} : vector<1x256xi32>
    %get3A = arith.constant 0 : index
    %get3A_2 = arith.constant 0 : index
    %get3A_3 = vector.load %arg1[%get3A, %get3A_2] : memref<8x128xi32, #tpu.memory_space<vmem>>, vector<8x128xi32>
    %transpose3A = tpu.transpose %get3A_3, [1, 0] : vector<8x128xi32> -> vector<128x8xi32>
    %get3A_4 = arith.constant 0 : index
    %get3A_5 = arith.constant 0 : index
    %get3A_6 = vector.load %arg2[%get3A_4, %get3A_5] : memref<8x128xi32, #tpu.memory_space<vmem>>, vector<8x128xi32>
    %transpose3A_7 = tpu.transpose %get3A_6, [1, 0] : vector<8x128xi32> -> vector<128x8xi32>
    %get3A_8 = arith.constant 0 : index
    %get3A_9 = arith.constant 0 : index
    %get3A_10 = vector.load %arg4[%get3A_8, %get3A_9] : memref<1x256xi32, #tpu.memory_space<vmem>>, vector<1x256xi32>
    %slice3A = vector.extract_strided_slice %transpose3A {offsets = [0, 0], sizes = [128, 1], strides = [1, 1]} : vector<128x8xi32> to vector<128x1xi32>
    %eq3A_11 = vector.broadcast %slice3A : vector<128x1xi32> to vector<128x256xi32>
    %eq3A_12 = vector.broadcast %iota3A : vector<1x256xi32> to vector<128x256xi32>
    %eq3A_13 = arith.cmpi eq, %eq3A_11, %eq3A_12 : vector<128x256xi32>
    %slice3A_14 = vector.extract_strided_slice %transpose3A_7 {offsets = [0, 0], sizes = [128, 1], strides = [1, 1]} : vector<128x8xi32> to vector<128x1xi32>
    %jit3A = arith.constant -1 : i32
    %broadcast_in_dim3A = vector.shape_cast %slice3A_14 : vector<128x1xi32> to vector<128x1xi32>
    %broadcast_in_dim3A_15 = vector.broadcast %broadcast_in_dim3A : vector<128x1xi32> to vector<128x256xi32>
    %broadcast_in_dim3A_16 = vector.broadcast %jit3A : i32 to vector<128x256xi32>
    %select_n3A = arith.select %eq3A_13, %broadcast_in_dim3A_15, %broadcast_in_dim3A_16 : vector<128x256xi1>, vector<128x256xi32>
    %reduce_max3A = arith.constant dense<-2147483648> : vector<256xi32>
    %reduce_max3A_17 = vector.multi_reduction <maxsi>, %select_n3A, %reduce_max3A [0] : vector<128x256xi32> to vector<256xi32>
    %broadcast_in_dim3A_18 = vector.shape_cast %reduce_max3A_17 : vector<256xi32> to vector<1x256xi32>
    %max3A = arith.maxsi %get3A_10, %broadcast_in_dim3A_18 : vector<1x256xi32>
    %slice3A_19 = vector.extract_strided_slice %transpose3A {offsets = [0, 1], sizes = [128, 1], strides = [1, 1]} : vector<128x8xi32> to vector<128x1xi32>
    %eq3A_20 = vector.broadcast %slice3A_19 : vector<128x1xi32> to vector<128x256xi32>
    %eq3A_21 = vector.broadcast %iota3A : vector<1x256xi32> to vector<128x256xi32>
    %eq3A_22 = arith.cmpi eq, %eq3A_20, %eq3A_21 : vector<128x256xi32>
    %slice3A_23 = vector.extract_strided_slice %transpose3A_7 {offsets = [0, 1], sizes = [128, 1], strides = [1, 1]} : vector<128x8xi32> to vector<128x1xi32>
    %jit3A_24 = arith.constant -1 : i32
    %broadcast_in_dim3A_25 = vector.shape_cast %slice3A_23 : vector<128x1xi32> to vector<128x1xi32>
    %broadcast_in_dim3A_26 = vector.broadcast %broadcast_in_dim3A_25 : vector<128x1xi32> to vector<128x256xi32>
    %broadcast_in_dim3A_27 = vector.broadcast %jit3A_24 : i32 to vector<128x256xi32>
    %select_n3A_28 = arith.select %eq3A_22, %broadcast_in_dim3A_26, %broadcast_in_dim3A_27 : vector<128x256xi1>, vector<128x256xi32>
    %reduce_max3A_29 = arith.constant dense<-2147483648> : vector<256xi32>
    %reduce_max3A_30 = vector.multi_reduction <maxsi>, %select_n3A_28, %reduce_max3A_29 [0] : vector<128x256xi32> to vector<256xi32>
    %broadcast_in_dim3A_31 = vector.shape_cast %reduce_max3A_30 : vector<256xi32> to vector<1x256xi32>
    %max3A_32 = arith.maxsi %max3A, %broadcast_in_dim3A_31 : vector<1x256xi32>
    %slice3A_33 = vector.extract_strided_slice %transpose3A {offsets = [0, 2], sizes = [128, 1], strides = [1, 1]} : vector<128x8xi32> to vector<128x1xi32>
    %eq3A_34 = vector.broadcast %slice3A_33 : vector<128x1xi32> to vector<128x256xi32>
    %eq3A_35 = vector.broadcast %iota3A : vector<1x256xi32> to vector<128x256xi32>
    %eq3A_36 = arith.cmpi eq, %eq3A_34, %eq3A_35 : vector<128x256xi32>
    %slice3A_37 = vector.extract_strided_slice %transpose3A_7 {offsets = [0, 2], sizes = [128, 1], strides = [1, 1]} : vector<128x8xi32> to vector<128x1xi32>
    %jit3A_38 = arith.constant -1 : i32
    %broadcast_in_dim3A_39 = vector.shape_cast %slice3A_37 : vector<128x1xi32> to vector<128x1xi32>
    %broadcast_in_dim3A_40 = vector.broadcast %broadcast_in_dim3A_39 : vector<128x1xi32> to vector<128x256xi32>
    %broadcast_in_dim3A_41 = vector.broadcast %jit3A_38 : i32 to vector<128x256xi32>
    %select_n3A_42 = arith.select %eq3A_36, %broadcast_in_dim3A_40, %broadcast_in_dim3A_41 : vector<128x256xi1>, vector<128x256xi32>
    %reduce_max3A_43 = arith.constant dense<-2147483648> : vector<256xi32>
    %reduce_max3A_44 = vector.multi_reduction <maxsi>, %select_n3A_42, %reduce_max3A_43 [0] : vector<128x256xi32> to vector<256xi32>
    %broadcast_in_dim3A_45 = vector.shape_cast %reduce_max3A_44 : vector<256xi32> to vector<1x256xi32>
    %max3A_46 = arith.maxsi %max3A_32, %broadcast_in_dim3A_45 : vector<1x256xi32>
    %slice3A_47 = vector.extract_strided_slice %transpose3A {offsets = [0, 3], sizes = [128, 1], strides = [1, 1]} : vector<128x8xi32> to vector<128x1xi32>
    %eq3A_48 = vector.broadcast %slice3A_47 : vector<128x1xi32> to vector<128x256xi32>
    %eq3A_49 = vector.broadcast %iota3A : vector<1x256xi32> to vector<128x256xi32>
    %eq3A_50 = arith.cmpi eq, %eq3A_48, %eq3A_49 : vector<128x256xi32>
    %slice3A_51 = vector.extract_strided_slice %transpose3A_7 {offsets = [0, 3], sizes = [128, 1], strides = [1, 1]} : vector<128x8xi32> to vector<128x1xi32>
    %jit3A_52 = arith.constant -1 : i32
    %broadcast_in_dim3A_53 = vector.shape_cast %slice3A_51 : vector<128x1xi32> to vector<128x1xi32>
    %broadcast_in_dim3A_54 = vector.broadcast %broadcast_in_dim3A_53 : vector<128x1xi32> to vector<128x256xi32>
    %broadcast_in_dim3A_55 = vector.broadcast %jit3A_52 : i32 to vector<128x256xi32>
    %select_n3A_56 = arith.select %eq3A_50, %broadcast_in_dim3A_54, %broadcast_in_dim3A_55 : vector<128x256xi1>, vector<128x256xi32>
    %reduce_max3A_57 = arith.constant dense<-2147483648> : vector<256xi32>
    %reduce_max3A_58 = vector.multi_reduction <maxsi>, %select_n3A_56, %reduce_max3A_57 [0] : vector<128x256xi32> to vector<256xi32>
    %broadcast_in_dim3A_59 = vector.shape_cast %reduce_max3A_58 : vector<256xi32> to vector<1x256xi32>
    %max3A_60 = arith.maxsi %max3A_46, %broadcast_in_dim3A_59 : vector<1x256xi32>
    %slice3A_61 = vector.extract_strided_slice %transpose3A {offsets = [0, 4], sizes = [128, 1], strides = [1, 1]} : vector<128x8xi32> to vector<128x1xi32>
    %eq3A_62 = vector.broadcast %slice3A_61 : vector<128x1xi32> to vector<128x256xi32>
    %eq3A_63 = vector.broadcast %iota3A : vector<1x256xi32> to vector<128x256xi32>
    %eq3A_64 = arith.cmpi eq, %eq3A_62, %eq3A_63 : vector<128x256xi32>
    %slice3A_65 = vector.extract_strided_slice %transpose3A_7 {offsets = [0, 4], sizes = [128, 1], strides = [1, 1]} : vector<128x8xi32> to vector<128x1xi32>
    %jit3A_66 = arith.constant -1 : i32
    %broadcast_in_dim3A_67 = vector.shape_cast %slice3A_65 : vector<128x1xi32> to vector<128x1xi32>
    %broadcast_in_dim3A_68 = vector.broadcast %broadcast_in_dim3A_67 : vector<128x1xi32> to vector<128x256xi32>
    %broadcast_in_dim3A_69 = vector.broadcast %jit3A_66 : i32 to vector<128x256xi32>
    %select_n3A_70 = arith.select %eq3A_64, %broadcast_in_dim3A_68, %broadcast_in_dim3A_69 : vector<128x256xi1>, vector<128x256xi32>
    %reduce_max3A_71 = arith.constant dense<-2147483648> : vector<256xi32>
    %reduce_max3A_72 = vector.multi_reduction <maxsi>, %select_n3A_70, %reduce_max3A_71 [0] : vector<128x256xi32> to vector<256xi32>
    %broadcast_in_dim3A_73 = vector.shape_cast %reduce_max3A_72 : vector<256xi32> to vector<1x256xi32>
    %max3A_74 = arith.maxsi %max3A_60, %broadcast_in_dim3A_73 : vector<1x256xi32>
    %slice3A_75 = vector.extract_strided_slice %transpose3A {offsets = [0, 5], sizes = [128, 1], strides = [1, 1]} : vector<128x8xi32> to vector<128x1xi32>
    %eq3A_76 = vector.broadcast %slice3A_75 : vector<128x1xi32> to vector<128x256xi32>
    %eq3A_77 = vector.broadcast %iota3A : vector<1x256xi32> to vector<128x256xi32>
    %eq3A_78 = arith.cmpi eq, %eq3A_76, %eq3A_77 : vector<128x256xi32>
    %slice3A_79 = vector.extract_strided_slice %transpose3A_7 {offsets = [0, 5], sizes = [128, 1], strides = [1, 1]} : vector<128x8xi32> to vector<128x1xi32>
    %jit3A_80 = arith.constant -1 : i32
    %broadcast_in_dim3A_81 = vector.shape_cast %slice3A_79 : vector<128x1xi32> to vector<128x1xi32>
    %broadcast_in_dim3A_82 = vector.broadcast %broadcast_in_dim3A_81 : vector<128x1xi32> to vector<128x256xi32>
    %broadcast_in_dim3A_83 = vector.broadcast %jit3A_80 : i32 to vector<128x256xi32>
    %select_n3A_84 = arith.select %eq3A_78, %broadcast_in_dim3A_82, %broadcast_in_dim3A_83 : vector<128x256xi1>, vector<128x256xi32>
    %reduce_max3A_85 = arith.constant dense<-2147483648> : vector<256xi32>
    %reduce_max3A_86 = vector.multi_reduction <maxsi>, %select_n3A_84, %reduce_max3A_85 [0] : vector<128x256xi32> to vector<256xi32>
    %broadcast_in_dim3A_87 = vector.shape_cast %reduce_max3A_86 : vector<256xi32> to vector<1x256xi32>
    %max3A_88 = arith.maxsi %max3A_74, %broadcast_in_dim3A_87 : vector<1x256xi32>
    %slice3A_89 = vector.extract_strided_slice %transpose3A {offsets = [0, 6], sizes = [128, 1], strides = [1, 1]} : vector<128x8xi32> to vector<128x1xi32>
    %eq3A_90 = vector.broadcast %slice3A_89 : vector<128x1xi32> to vector<128x256xi32>
    %eq3A_91 = vector.broadcast %iota3A : vector<1x256xi32> to vector<128x256xi32>
    %eq3A_92 = arith.cmpi eq, %eq3A_90, %eq3A_91 : vector<128x256xi32>
    %slice3A_93 = vector.extract_strided_slice %transpose3A_7 {offsets = [0, 6], sizes = [128, 1], strides = [1, 1]} : vector<128x8xi32> to vector<128x1xi32>
    %jit3A_94 = arith.constant -1 : i32
    %broadcast_in_dim3A_95 = vector.shape_cast %slice3A_93 : vector<128x1xi32> to vector<128x1xi32>
    %broadcast_in_dim3A_96 = vector.broadcast %broadcast_in_dim3A_95 : vector<128x1xi32> to vector<128x256xi32>
    %broadcast_in_dim3A_97 = vector.broadcast %jit3A_94 : i32 to vector<128x256xi32>
    %select_n3A_98 = arith.select %eq3A_92, %broadcast_in_dim3A_96, %broadcast_in_dim3A_97 : vector<128x256xi1>, vector<128x256xi32>
    %reduce_max3A_99 = arith.constant dense<-2147483648> : vector<256xi32>
    %reduce_max3A_100 = vector.multi_reduction <maxsi>, %select_n3A_98, %reduce_max3A_99 [0] : vector<128x256xi32> to vector<256xi32>
    %broadcast_in_dim3A_101 = vector.shape_cast %reduce_max3A_100 : vector<256xi32> to vector<1x256xi32>
    %max3A_102 = arith.maxsi %max3A_88, %broadcast_in_dim3A_101 : vector<1x256xi32>
    %slice3A_103 = vector.extract_strided_slice %transpose3A {offsets = [0, 7], sizes = [128, 1], strides = [1, 1]} : vector<128x8xi32> to vector<128x1xi32>
    %eq3A_104 = vector.broadcast %slice3A_103 : vector<128x1xi32> to vector<128x256xi32>
    %eq3A_105 = vector.broadcast %iota3A : vector<1x256xi32> to vector<128x256xi32>
    %eq3A_106 = arith.cmpi eq, %eq3A_104, %eq3A_105 : vector<128x256xi32>
    %slice3A_107 = vector.extract_strided_slice %transpose3A_7 {offsets = [0, 7], sizes = [128, 1], strides = [1, 1]} : vector<128x8xi32> to vector<128x1xi32>
    %jit3A_108 = arith.constant -1 : i32
    %broadcast_in_dim3A_109 = vector.shape_cast %slice3A_107 : vector<128x1xi32> to vector<128x1xi32>
    %broadcast_in_dim3A_110 = vector.broadcast %broadcast_in_dim3A_109 : vector<128x1xi32> to vector<128x256xi32>
    %broadcast_in_dim3A_111 = vector.broadcast %jit3A_108 : i32 to vector<128x256xi32>
    %select_n3A_112 = arith.select %eq3A_106, %broadcast_in_dim3A_110, %broadcast_in_dim3A_111 : vector<128x256xi1>, vector<128x256xi32>
    %reduce_max3A_113 = arith.constant dense<-2147483648> : vector<256xi32>
    %reduce_max3A_114 = vector.multi_reduction <maxsi>, %select_n3A_112, %reduce_max3A_113 [0] : vector<128x256xi32> to vector<256xi32>
    %broadcast_in_dim3A_115 = vector.shape_cast %reduce_max3A_114 : vector<256xi32> to vector<1x256xi32>
    %max3A_116 = arith.maxsi %max3A_102, %broadcast_in_dim3A_115 : vector<1x256xi32>
    %swap3A = arith.constant 0 : index
    %swap3A_117 = arith.constant 0 : index
    %swap3A_118 = vector.load %arg4[%swap3A, %swap3A_117] : memref<1x256xi32, #tpu.memory_space<vmem>>, vector<1x256xi32>
    tpu.vector_store %arg4[%swap3A, %swap3A_117], %max3A_116 {strides = array<i32>} : memref<1x256xi32, #tpu.memory_space<vmem>>, vector<1x256xi32>,
    %eq3A_119 = arith.constant 48 : i32
    %eq3A_120 = arith.cmpi eq, %arg0, %eq3A_119 : i32
    %convert_element_type3A_121 = arith.extui %eq3A_120 : i1 to i32
    %cond3A_122 = arith.constant 0 : i32
    %cond3A_123 = arith.cmpi ne, %convert_element_type3A_121, %cond3A_122 : i32
    scf.if %cond3A_123 {
      %get3A_124 = arith.constant 0 : index
      %get3A_125 = arith.constant 0 : index
      %get3A_126 = vector.load %arg4[%get3A_124, %get3A_125] : memref<1x256xi32, #tpu.memory_space<vmem>>, vector<1x256xi32>
      %add3A = arith.constant 1 : i32
      %add3A_127 = vector.broadcast %add3A : i32 to vector<1x256xi32>
      %add3A_128 = arith.addi %get3A_126, %add3A_127 : vector<1x256xi32>
      %convert_element_type3A_129 = arith.sitofp %add3A_128 : vector<1x256xi32> to vector<1x256xf32>
      %swap3A_130 = arith.constant 0 : index
      %swap3A_131 = arith.constant 0 : index
      %swap3A_132 = vector.load %arg3[%swap3A_130, %swap3A_131] : memref<1x256xf32, #tpu.memory_space<vmem>>, vector<1x256xf32>
      tpu.vector_store %arg3[%swap3A_130, %swap3A_131], %convert_element_type3A_129 {strides = array<i32>} : memref<1x256xf32, #tpu.memory_space<vmem>>, vector<1x256xf32>,
    } else {
    }
    return
  }
  func.func @transform_0(%arg0: i32) -> (i32, i32) {
    %c0_i32 = arith.constant 0 : i32
    %c0_i32_0 = arith.constant 0 : i32
    return %arg0, %c0_i32 : i32, i32
  }
  func.func @transform_1(%arg0: i32) -> (i32, i32) {
    %c0_i32 = arith.constant 0 : i32
    %c0_i32_0 = arith.constant 0 : i32
    return %arg0, %c0_i32 : i32, i32
  }
  func.func @transform_2(%arg0: i32) -> (i32, i32) {
    %c0_i32 = arith.constant 0 : i32
    %c0_i32_0 = arith.constant 0 : i32
    %c0_i32_1 = arith.constant 0 : i32
    return %c0_i32, %c0_i32_0 : i32, i32
  }
}

module attributes {stable_mosaic.version = 14 : i64} {
  func.func @_mlp_body(%arg0: i32, %arg1: memref<2048x256xf32, #tpu.memory_space<vmem>>, %arg2: memref<64x1xf32, #tpu.memory_space<vmem>>, %arg3: memref<256x256xf32, #tpu.memory_space<vmem>>, %arg4: memref<1x256xf32, #tpu.memory_space<vmem>>, %arg5: memref<256x1xf32, #tpu.memory_space<vmem>>, %arg6: memref<1x1xf32, #tpu.memory_space<vmem>>, %arg7: memref<64x1xf32, #tpu.memory_space<vmem>>) attributes {dimension_semantics = [#tpu.dimension_semantics<arbitrary>], iteration_bounds = array<i64: 4>, scalar_prefetch = 0 : i64, scratch_operands = 0 : i64, tpu.core_type = #tpu.core_type<tc>, window_params = [{transform_indices = @transform_0, window_bounds = array<i64: 2048, 256>}, {transform_indices = @transform_1, window_bounds = array<i64: 64, 1>}, {pipeline_mode = #tpu.pipeline_mode<synchronous>, transform_indices = @transform_2, window_bounds = array<i64: 256, 256>}, {pipeline_mode = #tpu.pipeline_mode<synchronous>, transform_indices = @transform_3, window_bounds = array<i64: 1, 256>}, {pipeline_mode = #tpu.pipeline_mode<synchronous>, transform_indices = @transform_4, window_bounds = array<i64: 256, 1>}, {pipeline_mode = #tpu.pipeline_mode<synchronous>, transform_indices = @transform_5, window_bounds = array<i64: 1, 1>}, {transform_indices = @transform_6, window_bounds = array<i64: 64, 1>}]} {
    %get3A = arith.constant 0 : index
    %get3A_0 = arith.constant 0 : index
    %get3A_1 = vector.load %arg1[%get3A, %get3A_0] : memref<2048x256xf32, #tpu.memory_space<vmem>>, vector<2048x256xf32>
    %get3A_2 = arith.constant 0 : index
    %get3A_3 = arith.constant 0 : index
    %get3A_4 = vector.load %arg3[%get3A_2, %get3A_3] : memref<256x256xf32, #tpu.memory_space<vmem>>, vector<256x256xf32>
    %dot_general3A = arith.constant dense<0.000000e+00> : vector<2048x256xf32>
    %dot_general3A_5 = tpu.matmul %get3A_1, %get3A_4, %dot_general3A {dimension_numbers = #tpu.dot_dimension_numbers<[1], [0], [0], [1], [0, 0, 1, 1], [], []>, transpose_lhs_hint = false} : vector<2048x256xf32>, vector<256x256xf32>, vector<2048x256xf32> -> vector<2048x256xf32>
    %get3A_6 = arith.constant 0 : index
    %get3A_7 = arith.constant 0 : index
    %get3A_8 = vector.load %arg4[%get3A_6, %get3A_7] : memref<1x256xf32, #tpu.memory_space<vmem>>, vector<1x256xf32>
    %add3A = vector.broadcast %get3A_8 : vector<1x256xf32> to vector<2048x256xf32>
    %add3A_9 = arith.addf %dot_general3A_5, %add3A : vector<2048x256xf32>
    %ge3A = arith.constant 0.000000e+00 : f32
    %ge3A_10 = vector.broadcast %ge3A : f32 to vector<2048x256xf32>
    %ge3A_11 = arith.cmpf oge, %add3A_9, %ge3A_10 : vector<2048x256xf32>
    %mul3A = arith.constant 0.00999999977 : f32
    %mul3A_12 = vector.broadcast %mul3A : f32 to vector<2048x256xf32>
    %mul3A_13 = arith.mulf %mul3A_12, %add3A_9 : vector<2048x256xf32>
    %select_n3A = arith.select %ge3A_11, %add3A_9, %mul3A_13 : vector<2048x256xi1>, vector<2048x256xf32>
    %get3A_14 = arith.constant 0 : index
    %get3A_15 = arith.constant 0 : index
    %get3A_16 = vector.load %arg5[%get3A_14, %get3A_15] : memref<256x1xf32, #tpu.memory_space<vmem>>, vector<256x1xf32>
    %dot_general3A_17 = arith.constant dense<0.000000e+00> : vector<2048x1xf32>
    %dot_general3A_18 = tpu.matmul %select_n3A, %get3A_16, %dot_general3A_17 {dimension_numbers = #tpu.dot_dimension_numbers<[1], [0], [0], [1], [0, 0, 1, 1], [], []>, transpose_lhs_hint = false} : vector<2048x256xf32>, vector<256x1xf32>, vector<2048x1xf32> -> vector<2048x1xf32>
    %get3A_19 = arith.constant 0 : index
    %get3A_20 = arith.constant 0 : index
    %get3A_21 = vector.load %arg6[%get3A_19, %get3A_20] : memref<1x1xf32, #tpu.memory_space<vmem>>, vector<1x1xf32>
    %get3A_22 = vector.extract %get3A_21[0, 0] : f32 from vector<1x1xf32>
    %add3A_23 = vector.broadcast %get3A_22 : f32 to vector<2048x1xf32>
    %add3A_24 = arith.addf %dot_general3A_18, %add3A_23 : vector<2048x1xf32>
    %reshape3A = vector.shape_cast %add3A_24 : vector<2048x1xf32> to vector<64x32xf32>
    %iota3A = tpu.iota {dimensions = array<i32: 1>} : vector<1x32xi32>
    %convert_element_type3A = arith.sitofp %iota3A : vector<1x32xi32> to vector<1x32xf32>
    %get3A_25 = arith.constant 0 : index
    %get3A_26 = arith.constant 0 : index
    %get3A_27 = vector.load %arg2[%get3A_25, %get3A_26] : memref<64x1xf32, #tpu.memory_space<vmem>>, vector<64x1xf32>
    %lt3A = vector.broadcast %convert_element_type3A : vector<1x32xf32> to vector<64x32xf32>
    %lt3A_28 = vector.broadcast %get3A_27 : vector<64x1xf32> to vector<64x32xf32>
    %lt3A_29 = arith.cmpf olt, %lt3A, %lt3A_28 : vector<64x32xf32>
    %convert_element_type3A_30 = arith.extui %lt3A_29 : vector<64x32xi1> to vector<64x32xi32>
    %convert_element_type3A_31 = arith.sitofp %convert_element_type3A_30 : vector<64x32xi32> to vector<64x32xf32>
    %mul3A_32 = arith.mulf %reshape3A, %convert_element_type3A_31 : vector<64x32xf32>
    %reduce_sum3A = arith.constant dense<0.000000e+00> : vector<64xf32>
    %reduce_sum3A_33 = vector.multi_reduction <add>, %mul3A_32, %reduce_sum3A [1] : vector<64x32xf32> to vector<64xf32>
    %broadcast_in_dim3A = vector.shape_cast %reduce_sum3A_33 : vector<64xf32> to vector<64x1xf32>
    %swap3A = arith.constant 0 : index
    %swap3A_34 = arith.constant 0 : index
    %swap3A_35 = vector.load %arg7[%swap3A, %swap3A_34] : memref<64x1xf32, #tpu.memory_space<vmem>>, vector<64x1xf32>
    tpu.vector_store %arg7[%swap3A, %swap3A_34], %broadcast_in_dim3A {strides = array<i32>} : memref<64x1xf32, #tpu.memory_space<vmem>>, vector<64x1xf32>,
    return
  }
  func.func @transform_0(%arg0: i32) -> (i32, i32) {
    %c0_i32 = arith.constant 0 : i32
    %c0_i32_0 = arith.constant 0 : i32
    return %arg0, %c0_i32 : i32, i32
  }
  func.func @transform_1(%arg0: i32) -> (i32, i32) {
    %c0_i32 = arith.constant 0 : i32
    %c0_i32_0 = arith.constant 0 : i32
    return %arg0, %c0_i32 : i32, i32
  }
  func.func @transform_2(%arg0: i32) -> (i32, i32) {
    %c0_i32 = arith.constant 0 : i32
    %c0_i32_0 = arith.constant 0 : i32
    %c0_i32_1 = arith.constant 0 : i32
    return %c0_i32, %c0_i32_0 : i32, i32
  }
  func.func @transform_3(%arg0: i32) -> (i32, i32) {
    %c0_i32 = arith.constant 0 : i32
    %c0_i32_0 = arith.constant 0 : i32
    %c0_i32_1 = arith.constant 0 : i32
    return %c0_i32, %c0_i32_0 : i32, i32
  }
  func.func @transform_4(%arg0: i32) -> (i32, i32) {
    %c0_i32 = arith.constant 0 : i32
    %c0_i32_0 = arith.constant 0 : i32
    %c0_i32_1 = arith.constant 0 : i32
    return %c0_i32, %c0_i32_0 : i32, i32
  }
  func.func @transform_5(%arg0: i32) -> (i32, i32) {
    %c0_i32 = arith.constant 0 : i32
    %c0_i32_0 = arith.constant 0 : i32
    %c0_i32_1 = arith.constant 0 : i32
    return %c0_i32, %c0_i32_0 : i32, i32
  }
  func.func @transform_6(%arg0: i32) -> (i32, i32) {
    %c0_i32 = arith.constant 0 : i32
    %c0_i32_0 = arith.constant 0 : i32
    return %arg0, %c0_i32 : i32, i32
  }
}

</mosaic_0001>

<sc_bundles>
// kernel: kernel.5.cloned.1.call-start
scs
__scs_entry_jumppad:
0x0: {  	(pc) =	sbr.rel $0x88, $3  }
0x1: {  	(tag) =	ssettag $0x0;
	lr =	simm.s32 $0x1  }
0x2: {  	[smem:$0x3F9A] =	sst lr;
	_ =	strace $0xD0000000  }
0x3: {  	_ = 	snop  }
0x4: {  	_ = 	snop  }
0x5: {  	_ = 	snop  }
0x6: {  	_ = 	snop  }
0x7: {  	_ = 	snop  }
__scs_overlays_trampoline_lowered:
0x8: {  	[smem:$0x3FA9] =	sst s0  }
0x9: {  	[smem:$0x3FAA] =	sst s1  }
0xa: {  	[smem:$0x3FAB] =	sst s2  }
0xb: {  	[smem:$0x3FAC] =	sst s3  }
0xc: {  	[smem:$0x3FAD] =	sst s4  }
0xd: {  	[smem:$0x3FAE] =	sst s5  }
0xe: {  	[smem:$0x3FAF] =	sst s6  }
0xf: {  	[smem:$0x3FB0] =	sst s7  }
0x10: {  	[smem:$0x3FB1] =	sst s8  }
0x11: {  	[smem:$0x3FB2] =	sst s9;
	s0 =	simm.s32 @!p0 $0x0  }
0x12: {  	s1 =	sld [smem:$0x3F98];
	s0 =	simm.s32 @p0 $0x1  }
0x13: {  	[smem:$0x3FB3] =	sst s0;
	s0 =	simm.s32 @!p1 $0x0  }
0x14: {  	s2 =	sld [smem:$0x3F97];
	s0 =	simm.s32 @p1 $0x1  }
0x15: {  	[smem:$0x3FB4] =	sst s0;
	s0 =	simm.s32 @!p2 $0x0  }
0x16: {  	s3 =	sld [smem:$0x3FDB];
	s0 =	simm.s32 @p2 $0x1  }
0x17: {  	s4 =	simm.s32 $0x1BF5;
	[smem:$0x3FB6] =	sst s0  }
0x18: {  	s0 =	sld [smem:$0x3F99];
	_ =	swait.ge [sflag:s4], $0x0  }
0x19: {  	s7 =	sld [smem:$0x3F9A]  }
0x1a: {  	s8 =	sadd.s32 $0xFFFFE003, lr  }
0x1b: {  	s9 =	sadd.s32 $0xFFFFFEF7, lr;
	s5 =	simm.s32 $0xFFFFFFFF;
	p2 =	slt.u32 s8, $0xFFFFF086  }
0x1c: {  	p1 =	slt.u32 s9, $0xF7A;
	s5 =	simm.s32 @!p2 $0x0  }
0x1d: {  	s5 =	simm.s32 @p1 $0x1;
	p0 =	seq.s32 s7, s2  }
0x1e: {  	s7 =	smul.u32 @!p0 $0xF7A, s2;
	p2 =	seq.s32 @!p0 s5, $0x0  }
0x1f: {  	s9 =	smul.u32 $0xF7A, s1;
	s8 =	simm.s32 @!p0 $0x1BF5;
	p2 =	por !p2, p0  }
0x20: {  	[sflag:s8] =	ssyncset.s32 @!p0 $0xFFFFF086;
	s6 =	sadd.s32 @!p0 s3, s7;
	s7 =	simm.s32 @!p0 $0x108  }
0x21: {  	s3 =	sadd.s32 s3, s9;
	s6 =	sadd.s32 @!p0 $0x88, s6;
	s7 =	simm.s32 @p2 $0x1082  }
0x22: {  	[simem:s7], [sflag:s8] =	dma.local @!p0 [hbm:s6], $0xF7A  }
0x23: {  	s9 =	sor.u32 $0xD0000000, s2;
	s6 =	simm.s32 $0x108;
	_ =	swait.ge @!p0 [sflag:s8], $0x0  }
0x24: {  	s3 =	sadd.s32 $0x88, s3;
	s6 =	simm.s32 @!p1 $0x1082;
	[sflag:s4] =	ssyncset.s32 $0xFFFFF086  }
0x25: {  	[simem:s6], [sflag:s4] =	dma.local [hbm:s3], $0xF7A  }
0x26: {  	[smem:$0x3F9A] =	sst s1;
	(tag) =	ssettag s2;
	_ =	strace s9  }
0x27: {  	s1 =	sld [smem:$0x3FAA]  }
0x28: {  	s2 =	sld [smem:$0x3FAB]  }
0x29: {  	s4 =	sld [smem:$0x3FAD]  }
0x2a: {  	p0 =	seq.s32 s5, $0x0;
	s5 =	sld [smem:$0x3FAE]  }
0x2b: {  	s6 =	sld [smem:$0x3FAF]  }
0x2c: {  	s7 =	sld [smem:$0x3FB0]  }
0x2d: {  	s3 =	simm.s32 $0x108;
	s8 =	sld [smem:$0x3FB1]  }
0x2e: {  	s3 =	simm.s32 @!p0 $0x1082;
	s9 =	sld [smem:$0x3FB2]  }
0x2f: {  	lr =	sadd.s32 s0, s3;
	s0 =	sld [smem:$0x3FA9]  }
0x30: {  	s3 =	sld [smem:$0x3FAC]  }
0x31: {  	[smem:$0x3FB5] =	sst s10  }
0x32: {  	s10 =	sld [smem:$0x3FB3];
	_ =	sdelay $0x3  }
0x33: {  	p0 =	seq.s32 s10, $0x1;
	s10 =	sld [smem:$0x3FB5];
	_ =	sdelay $0x3  }
0x34: {  	[smem:$0x3FB5] =	sst s10  }
0x35: {  	s10 =	sld [smem:$0x3FB4];
	_ =	sdelay $0x3  }
0x36: {  	p1 =	seq.s32 s10, $0x1;
	s10 =	sld [smem:$0x3FB5];
	_ =	sdelay $0x3  }
0x37: {  	[smem:$0x3FB5] =	sst s10  }
0x38: {  	s10 =	sld [smem:$0x3FB6]  }
0x39: {  	_ = 	snop;
	(pc) =	sbr.ind lr, $3  }
0x3a: {  	_ = 	snop  }
0x3b: {  	_ = 	snop  }
0x3c: {  	p2 =	seq.s32 s10, $0x1;
	s10 =	sld [smem:$0x3FB5]  }
0x3d: {  	_ =	shalt  }
0x3e: {  	_ =	shalt  }
0x3f: {  	_ =	shalt  }
0x40: {  	_ =	shalt  }
0x41: {  	_ =	shalt  }
0x42: {  	_ =	shalt  }
0x43: {  	_ =	shalt  }
0x44: {  	_ =	shalt  }
0x45: {  	_ =	shalt  }
0x46: {  	_ =	shalt  }
0x47: {  	_ =	shalt  }
0x48: {  	_ =	shalt  }
0x49: {  	_ =	shalt  }
0x4a: {  	_ =	shalt  }
0x4b: {  	_ =	shalt  }
0x4c: {  	_ =	shalt  }
0x4d: {  	_ =	shalt  }
0x4e: {  	_ =	shalt  }
0x4f: {  	_ =	shalt  }
0x50: {  	_ =	shalt  }
0x51: {  	_ =	shalt  }
0x52: {  	_ =	shalt  }
0x53: {  	_ =	shalt  }
0x54: {  	_ =	shalt  }
0x55: {  	_ =	shalt  }
0x56: {  	_ =	shalt  }
0x57: {  	_ =	shalt  }
0x58: {  	_ =	shalt  }
0x59: {  	_ =	shalt  }
0x5a: {  	_ =	shalt  }
0x5b: {  	_ =	shalt  }
0x5c: {  	_ =	shalt  }
0x5d: {  	_ =	shalt  }
0x5e: {  	_ =	shalt  }
0x5f: {  	_ =	shalt  }
0x60: {  	_ =	shalt  }
0x61: {  	_ =	shalt  }
0x62: {  	_ =	shalt  }
0x63: {  	_ =	shalt  }
0x64: {  	_ =	shalt  }
0x65: {  	_ =	shalt  }
0x66: {  	_ =	shalt  }
0x67: {  	_ =	shalt  }
0x68: {  	_ =	shalt  }
0x69: {  	_ =	shalt  }
0x6a: {  	_ =	shalt  }
0x6b: {  	_ =	shalt  }
0x6c: {  	_ =	shalt  }
0x6d: {  	_ =	shalt  }
0x6e: {  	_ =	shalt  }
0x6f: {  	_ =	shalt  }
0x70: {  	_ =	shalt  }
0x71: {  	_ =	shalt  }
0x72: {  	_ =	shalt  }
0x73: {  	_ =	shalt  }
0x74: {  	_ =	shalt  }
0x75: {  	_ =	shalt  }
0x76: {  	_ =	shalt  }
0x77: {  	_ =	shalt  }
0x78: {  	_ =	shalt  }
0x79: {  	_ =	shalt  }
0x7a: {  	_ =	shalt  }
0x7b: {  	_ =	shalt  }
0x7c: {  	_ =	shalt  }
0x7d: {  	_ =	shalt  }
0x7e: {  	_ =	shalt  }
0x7f: {  	_ =	shalt  }
0x80: {  	_ =	shalt  }
0x81: {  	_ =	shalt  }
0x82: {  	_ =	shalt  }
0x83: {  	_ =	shalt  }
0x84: {  	_ =	shalt  }
0x85: {  	_ =	shalt  }
0x86: {  	_ =	shalt  }
0x87: {  	_ =	shalt  }
.Lfunc_end0:
.L_simem_size_0:
called_computation_lowered:
.L_overlay_start_0:
0x88: {  	s2 =	sld [smem:$0x3FD9]  }
0x89: {  	s3 =	sld [smem:$0x3FFE];
	_ =	sdelay $0x1  }
0x8a: {  	s1 =	srdreg.scid  }
0x8b: {  	s0 =	sand.u32 $0x1, s1  }
0x8c: {  	s17 =	sshll.u32 s0, $0xA;
	s2 =	sadd.s32 s3, s2  }
0x8d: {  	s2 =	sadd.s32 s2, s17  }
0x8e: {  	[smem:$0x3FC1] =	sst s2  }
0x8f: {  	_ = 	snop  }
0x90: {  	s2 =	sld [smem:$0x3FC9]  }
0x91: {  	s18 =	sld [smem:$0x3FC8]  }
0x92: {  	s4 =	sld [smem:$0x3FC7];
	(tm) =	ssettm $0x1  }
0x93: {  	s5 =	sld [smem:$0x3FFB];
	_ =	sdelay $0x3  }
0x94: {  	_ =	strace s5  }
0x95: {  	s5 =	sld [smem:$0x3FFC];
	_ =	sdelay $0x3  }
0x96: {  	_ =	strace s5  }
0x97: {  	s5 =	sld [smem:$0x3FFD];
	_ =	sdelay $0x3  }
0x98: {  	_ =	strace s5  }
0x99: {  	_ =	strace $0x8FFFFFFF  }
0x9a: {  	s19 =	sld [smem:$0x3FDB];
	_ =	sdelay $0x1  }
0x9b: {  	s6 =	simm.s32 $_scs_section_size  }
0x9c: {  	s7 =	simm.s32 $_size__tile_overlayer_lowered;
	s8 =	simm.s32 $_tile_overlayer_lowered  }
0x9d: {  	s22 =	simm.s32 $0x1BFF;
	s21 =	sshll.u32 s8, $0x1;
	s5 =	sadd.s32 s6, s19  }
0x9e: {  	s9 =	simm.s32 $0x0;
	s20 =	sshll.u32 s7, $0x1;
	s7 =	sadd.s32 s21, s5  }
0x9f: {  	[timem:s9], [sflag:s22] =	dma.local [hbm:s7], s20  }
0xa0: {  	_ =	swait.ge [sflag:s22], s20  }
0xa1: {  	s6 =	ssub.s32 $0x0, s20;
	[sflag:s22] =	ssyncset.done $0x0  }
0xa2: {  	[sflag:s22] =	ssyncadd.s32 s6;
	_ =	sdelay $0x1  }
0xa3: {  	s23 =	simm.s32 $0x1B8B  }
0xa4: {  	_ =	swait.ge [sflag:s23], $0x1  }
0xa5: {  	[sflag:s23] =	ssyncset.done $0x0  }
0xa6: {  	s25 =	simm.s32 $0x1B8E;
	s24 =	sld [smem:$0x3FFE];
	[sflag:s23] =	ssyncadd.s32 $0xFFFFFFFF  }
0xa7: {  	s26 =	simm.s32 $execute0_lowered;
	[smem:$0x3FD2] =	sst s25  }
0xa8: {  	s7 =	sshll.u32 s26, $0x1;
	_ =	strace $0x80000046;
	[dreg:$0x1] =	wrdreg $0xFFFFFFFF  }
0xa9: {  	s28 =	simm.s32 $_size_execute0_lowered;
	s5 =	sadd.s32 s5, s7;
	[dreg:$0x0] =	wrdreg $0x0  }
0xaa: {  	s7 =	sshll.u32 s28, $0x1;
	[dreg:$0x2] =	wrdreg s5  }
0xab: {  	[dreg:$0x3] =	wrdreg s7  }
0xac: {  	[dreg:$0x4] =	wrdreg $0xC0  }
0xad: {  	_ =	task [dreg:s9], $0x5FFFF  }
0xae: {  	[dreg:$0x1] =	wrdreg $0xFFFFFFFF  }
0xaf: {  	[dreg:$0x0] =	wrdreg $0x60  }
0xb0: {  	[dreg:$0x2] =	wrdreg s2  }
0xb1: {  	[dreg:$0x3] =	wrdreg s18  }
0xb2: {  	[dreg:$0x4] =	wrdreg s4  }
0xb3: {  	[dreg:$0x5] =	wrdreg s24  }
0xb4: {  	[dreg:$0x6] =	wrdreg $0xE6000  }
0xb5: {  	[dreg:$0x7] =	wrdreg $0x166800  }
0xb6: {  	[dreg:$0x8] =	wrdreg $0x9  }
0xb7: {  	_ =	task.clear_ibuf [dreg:s9], $0x9FFFF;
	_ =	strace $0x90000046  }
0xb8: {  	s29 =	simm.s32 $0x9;
	_ =	strace $0x80000048  }
0xb9: {  	_ =	swait.ge [sflag:s29], $0x1  }
0xba: {  	[sflag:s29] =	ssyncadd.s32 $0xFFFFFFFF  }
0xbb: {  	_ =	strace $0x90000048  }
0xbc: {  	_ =	sfence  }
0xbd: {  	s30 =	sld [smem:$0x0];
	_ =	sdelay $0x2  }
0xbe: {  	s31 =	sshll.u32 s1, $0xD;
	s1 =	sshrl.u32 s1, $0x2  }
0xbf: {  	s3 =	sand.u32 $0x4000, s31;
	s1 =	sadd.s32 s1, s30  }
0xc0: {  	s0 =	sor.u32 s3, s0;
	s1 =	sshll.u32 s1, $0x11  }
0xc1: {  	s0 =	sor.u32 s1, s0  }
0xc2: {  	s0 =	sadd.s32 $0x8F2B, s0  }
0xc3: {  	[sflag:s0] =	ssyncadd.remote.s32 $0x1  }
0xc4: {  	_ =	sfence.sel $0xFFFF  }
0xc5: {  	[dreg:$0x0] =	wrdreg $0xFFFFFFFF;
	(pc) =	sbr.abs _section_cstart, $3  }
0xc6: {  	[dreg:$0x1] =	wrdreg $0xFFFFFFFF  }
0xc7: {  	_ =	task.clear_ibuf [dreg:s9], $0x2FFFF;
	_ =	strace $0x9FFFFFFF  }
0xc8: {  	(tm) =	ssettm $0x7FFFFFFF  }
0xc9: {  	_ =	shalt  }
tec
execute0_lowered:
.L_overlay_start_1:
0x0: {  	(tag) =	ssettag $0x1  }
0x1: {  	s1 =	rddreg [dreg:$0x0]  }
0x2: {  	s2 =	rddreg [dreg:$0x1]  }
0x3: {  	s3 =	rddreg [dreg:$0x2]  }
0x4: {  	s0 =	rddreg [dreg:$0x3]  }
0x5: {  	s4 =	rddreg [dreg:$0x4]  }
0x6: {  	s6 =	rddreg [dreg:$0x5];
	s5 =	srdreg.scid  }
0x7: {  	s7 =	simm.s32 $0x0;
	s15 =	stileid.u32;
	s29 =	simm.s32 $0x1  }
0x8: {  	s30 =	simm.s32 $0x2;
	s31 =	simm.s32 $0x400;
	s28 =	simm.s32 $0x0  }
0x9: {  	s5 =	sand.u32 $0x1, s5;
	[smem:$0x7FF] =	sst s7;
	s8 =	sshll.u32 s15, $0xD  }
0xa: {  	s11 =	smul.u32 $0x70, s15;
	s19 =	sshll.u32 s15, $0xF;
	s20 =	sshll.u32 s15, $0x6  }
0xb: {  	s23 =	sor.u32 $0x1000, s15;
	s9 =	sshll.u32 s5, $0x11;
	_ =	strace $0x80000047  }
0xc: {  	s10 =	ssub.s32 $0x2, s5;
	s18 =	sshll.u32 s5, $0xC;
	s12 =	sadd.s32 s19, s4  }
0xd: {  	[dreg:$0x8] =	wrdreg s20;
	s9 =	sor.u32 s9, s8;
	s8 =	sadd.s32 $0x1200, s0  }
0xe: {  	s17 =	sshrl.u32 s10, $0x1;
	s13 =	ssub.s32 $0x0, s18;
	[dreg:$0x7] =	wrdreg s12  }
0xf: {  	s14 =	sshrl.u32 s11, $0x3;
	s26 =	sadd.s32 $0xE00, s11;
	s0 =	sadd.s32 s9, s0  }
0x10: {  	s9 =	sshll.u32 s5, $0x7;
	s5 =	sadd.s32 s19, s6;
	[dreg:$0x11] =	wrdreg s26  }
0x11: {  	s12 =	sor.u32 $0x1C01, s20;
	s16 =	sadd.s32 s2, s14;
	[dreg:$0x9] =	wrdreg s5  }
0x12: {  	s21 =	sadd.s32 $0xE0, s14;
	s14 =	sadd.s32 s3, s14;
	[dreg:$0xa] =	wrdreg s16  }
0x13: {  	s10 =	ssub.s32 s10, s17;
	[dreg:$0xb] =	wrdreg s14;
	s22 =	sadd.s32 s2, s21  }
.Ltmp0:
0x14: {  	s5 =	sadd.s32 s3, s21;
	[dreg:$0xc] =	wrdreg s22;
	(pc) =	sbr.rel .LBB2_1-.Ltmp0, $4  }
0x15: {  	s19 =	sadd.s32 $0x80, s1;
	s24 =	sadd.s32 $0x2200, s0;
	[dreg:$0xd] =	wrdreg s5  }
0x16: {  	s26 =	simm.s32 $0x7;
	s0 =	sadd.s32 $0x2280, s0;
	[dreg:$0xe] =	wrdreg s24  }
0x17: {  	s18 =	sadd.s32 $0x80, s9;
	s25 =	smax.u32 s10, $0x1;
	[dreg:$0xf] =	wrdreg s0  }
0x18: {  	v2 =	vlaneseq.u32;
	v1 =	vmov s23;
	v0 =	vmov s13;
	[dreg:$0x10] =	wrdreg s25;
	s0 =	simm.s32 $0x800;
	s25 =	simm.s32 $0x80  }
.LBB2_8:
0x19: {  	[bflag:$0x0] =	sbarrier.arrive $0xFFFF  }
0x1a: {  	s14 =	simm.s32 $0x8;
	s5 =	rddreg [dreg:$0x8]  }
0x1b: {  	s15 =	simm.s32 $0x100;
	s11 =	rddreg [dreg:$0xe];
	s5 =	sor.u32 $0x1C07, s5  }
0x1c: {  	[hbm:s11@s15], [sflag:s5] =	dma.strided [spmem:s13@s25], $0x1000, s14, $0x10   }
0x1d: {  	_ =	swait.ge [sflag:s26], $0x1000  }
0x1e: {  	[sflag:s26] =	ssyncset.done $0x0  }
0x1f: {  	s23 =	rddreg [dreg:$0xf];
	[sflag:s26] =	ssyncadd.s32 $0xFFFFF000  }
0x20: {  	[hbm:s23@s15], [sflag:s5] =	dma.strided [spmem:s10@s25], $0x1000, s14, $0x10   }
0x21: {  	_ =	swait.ge [sflag:s26], $0x1000  }
0x22: {  	s28 =	sadd.s32 $0x1, s28;
	s24 =	rddreg [dreg:$0x10]  }
0x23: {  	p0 =	sne.s32 s28, s24  }
.Ltmp1:
0x24: {  	_ = 	snop;
	(pc) =	sbr.rel @!p0 .LBB2_9-.Ltmp1, $3  }
0x25: {  	_ =	sdelay $0x1  }
0x26: {  	[sflag:s26] =	ssyncset.done $0x0  }
0x27: {  	[sflag:s26] =	ssyncadd.s32 $0xFFFFF000  }
.LBB2_1:
0x28: {  	s5 =	rddreg [dreg:$0x7]  }
0x29: {  	s13 =	sshrl.u32 s5, $0x3  }
0x2a: {  	[spmem:s13], [sflag:s12] =	dma.local [hbm:s8], $0x1000  }
0x2b: {  	s15 =	rddreg [dreg:$0x9]  }
0x2c: {  	s10 =	sshrl.u32 s15, $0x3  }
0x2d: {  	[spmem:s10], [sflag:s12] =	dma.local [hbm:s8], $0x1000  }
0x2e: {  	s11 =	simm.s32 $0xE000;
	s16 =	rddreg [dreg:$0xa]  }
0x2f: {  	[tilespmem:s11], [sflag:$0x2] =	stream.linear.gather [hbm4b:s16+s7], $0x70, $0x38;
	[tilespmem:$0x1E700] =	vst v63  }
0x30: {  	s20 =	simm.s32 $0xE200;
	s17 =	rddreg [dreg:$0xb]  }
0x31: {  	[tilespmem:s20], [sflag:$0x2] =	stream.linear.gather [hbm4b:s17+s7], $0x70, $0x38;
	[tilespmem:$0x1E700] =	vst v63  }
0x32: {  	s22 =	simm.s32 $0xE080;
	s21 =	rddreg [dreg:$0xc]  }
0x33: {  	[tilespmem:s22], [sflag:$0x2] =	stream.linear.gather [hbm4b:s21+s7], $0x70, $0x38;
	[tilespmem:$0x1E700] =	vst v63  }
0x34: {  	s24 =	simm.s32 $0xE280;
	s23 =	rddreg [dreg:$0xd]  }
0x35: {  	[tilespmem:s24], [sflag:$0x2] =	stream.linear.gather [hbm4b:s23+s7], $0x70, $0x38;
	[tilespmem:$0x1E700] =	vst v63  }
0x36: {  	_ =	swait.ge [sflag:s29], $0x1000  }
0x37: {  	[sflag:s29] =	ssyncset.done $0x0  }
0x38: {  	[sflag:s29] =	ssyncadd.s32 $0xFFFFF000  }
.Ltmp2:
0x39: {  	_ =	swait.ge [sflag:s29], $0x1000;
	(pc) =	sbr.rel .LBB2_2-.Ltmp2, $4  }
0x3a: {  	[sflag:s29] =	ssyncset.done $0x0  }
0x3b: {  	[sflag:s29] =	ssyncadd.s32 $0xFFFFF000  }
0x3c: {  	s14 =	stileid.u32;
	s15 =	simm.s32 $0x0;
	[bflag:$0x0] =	sbarrier.arrive $0xFFFF  }
0x3d: {  	s11 =	simm.s32 $0x0;
	s17 =	simm.s32 $0x100;
	s23 =	rddreg [dreg:$0x11]  }
.LBB2_7:
0x3e: {  	s5 =	sadd.s32 $0xFFFFFFFF, s11  }
0x3f: {  	p0 =	sgt.s32 s5, $0x0;
	s16 =	smov.u32 s5  }
0x40: {  	s16 =	simm.s32 @!p0 $0x0  }
0x41: {  	s16 =	sld [smem:s16+$0x0];
	_ =	sdelay $0x2  }
0x42: {  	p0 =	sne.s32 s16, $0x1  }
0x43: {  	p1 =	seq.s32 @!p0 s11, $0x0  }
0x44: {  	p2 =	por p1, p0  }
0x45: {  	p2 =	seq.s32 @!p2 s11, $0x1D  }
0x46: {  	p1 =	por @!p0 p2, p1  }
0x47: {  	p0 =	por p1, p0  }
0x48: {  	s16 =	sshll.u32 @!p0 s5, $0x18  }
0x49: {  	s20 =	sand.u32 @!p0 $0x80, s5;
	s16 =	sshra.s32 @!p0 s16, $0x1F  }
0x4a: {  	s20 =	sshrl.u32 @!p0 s20, $0x7;
	s16 =	sand.u32 @!p0 $0x3, s16  }
0x4b: {  	s21 =	simm.s32 @!p0 $0x3;
	s20 =	sadd.s32 @!p0 s20, s5;
	s16 =	sadd.s32 @!p0 s16, s5  }
0x4c: {  	_ =	swait.ge @!p0 [sflag:s21], $0x3800;
	s20 =	sand.u32 @!p0 $0xFE, s20;
	s16 =	sand.u32 @!p0 $0xFC, s16  }
0x4d: {  	[sflag:s21] =	ssyncset.done @!p0 $0x0;
	s20 =	ssub.s32 @!p0 s5, s20;
	s5 =	ssub.s32 @!p0 s5, s16  }
0x4e: {  	[sflag:s21] =	ssyncadd.s32 @!p0 $0xFFFFC800;
	s5 =	sshll.u32 @!p0 s5, $0x18  }
0x4f: {  	s16 =	sshll.u32 @!p0 s20, $0x18;
	s20 =	simm.s32 @!p0 $0x4;
	s5 =	sshra.s32 @!p0 s5, $0x18  }
0x50: {  	s16 =	sshra.s32 @!p0 s16, $0x18;
	_ =	swait.ge @!p0 [sflag:s20], $0x3800;
	s5 =	sshll.u32 @!p0 s5, $0x9  }
0x51: {  	s16 =	smul.u32 @!p0 $0x3800, s16;
	[sflag:s20] =	ssyncset.done @!p0 $0x0;
	s5 =	sshra.s32 @!p0 s5, $0x2  }
0x52: {  	[sflag:s20] =	ssyncadd.s32 @!p0 $0xFFFFC800;
	s20 =	simm.s32 @!p0 $0x70;
	s5 =	sadd.s32 @!p0 $0xE400, s5  }
0x53: {  	[spmem:s4] =	stream.indirect.scatter.add.f32 @!p0 [tilespmem:s16], [sflag:$0x5], $0x80, s5, s20, $0xb8;
	[tilespmem:$0x1E700] =	vst v63  }
0x54: {  	s11 =	sadd.s32 $0x1, s11;
	s16 =	sadd.s32 @!p0 $0x7000, s16  }
0x55: {  	[spmem:s6] =	stream.indirect.scatter.add.f32 @!p0 [tilespmem:s16], [sflag:$0x6], $0x80, s5, s20, $0xb8;
	[tilespmem:$0x1E700] =	vst v63  }
0x56: {  	p0 =	sne.s32 s11, $0x1E  }
.Ltmp3:
0x57: {  	_ = 	snop;
	(pc) =	sbr.rel @!p0 .LBB2_8-.Ltmp3, $3  }
0x58: {  	_ =	sdelay $0x1  }
0x59: {  	s17 =	sadd.s32 $0x80, s17  }
0x5a: {  	s23 =	sadd.s32 $0x700, s23;
	s15 =	sadd.s32 $0x1, s15;
	s14 =	sadd.s32 $0x10, s14  }
.LBB2_2:
0x5b: {  	s20 =	smax.u32 s11, $0x2  }
0x5c: {  	s20 =	sld [smem:s20+$0xFFFFFFFE];
	_ =	sdelay $0x1  }
0x5d: {  	p0 =	slt.u32 s11, $0x2  }
0x5e: {  	p1 =	sne.s32 @!p0 s20, $0x1  }
0x5f: {  	p0 =	por p1, p0  }
0x60: {  	s20 =	simm.s32 @!p0 $0x5  }
0x61: {  	p1 =	sgt.u32 s11, $0x19;
	_ =	swait.ge @!p0 [sflag:s20], $0x3800  }
.Ltmp4:
0x62: {  	[sflag:s20] =	ssyncset.done @!p0 $0x0;
	(pc) =	sbr.rel @p1 .LBB2_4-.Ltmp4, $4  }
0x63: {  	[sflag:s20] =	ssyncadd.s32 @!p0 $0xFFFFC800;
	s20 =	simm.s32 @!p0 $0x6  }
0x64: {  	_ =	swait.ge @!p0 [sflag:s20], $0x3800  }
0x65: {  	[sflag:s20] =	ssyncset.done @!p0 $0x0  }
0x66: {  	[sflag:s20] =	ssyncadd.s32 @!p0 $0xFFFFC800  }
0x67: {  	s20 =	smin.u32 s23, $0xC2E0  }
.Ltmp5:
0x68: {  	s21 =	sand.u32 $0x180, s17;
	s20 =	sshrl.u32 s20, $0x3;
	(pc) =	sbr.rel .LBB2_5-.Ltmp5, $4  }
0x69: {  	s22 =	sor.u32 $0xE000, s21;
	s16 =	sadd.s32 s2, s20  }
0x6a: {  	[tilespmem:s22], [sflag:$0x2] =	stream.linear.gather [hbm4b:s16+s7], $0x70, $0x38;
	[tilespmem:$0x1E700] =	vst v63  }
0x6b: {  	s24 =	sor.u32 $0xE200, s21;
	s20 =	sadd.s32 s3, s20  }
0x6c: {  	[tilespmem:s24], [sflag:$0x2] =	stream.linear.gather [hbm4b:s20+s7], $0x70, $0x38;
	[tilespmem:$0x1E700] =	vst v63  }
.LBB2_4:
0x6d: {  	p0 =	sgt.u32 s11, $0x1B  }
.Ltmp6:
0x6e: {  	_ = 	snop;
	(pc) =	sbr.rel @p0 .LBB2_7-.Ltmp6, $1  }
0x6f: {  	_ =	sdelay $0x3  }
.LBB2_5:
0x70: {  	_ =	swait.ge [sflag:s30], $0x70  }
0x71: {  	[sflag:s30] =	ssyncset.done $0x0  }
0x72: {  	[sflag:s30] =	ssyncadd.s32 $0xFFFFFF90  }
0x73: {  	_ =	swait.ge [sflag:s30], $0x70  }
0x74: {  	s16 =	sadd.s32 $0xFFFFFF00, s17;
	[sflag:s30] =	ssyncset.done $0x0  }
0x75: {  	s20 =	sand.u32 $0x180, s16;
	[sflag:s30] =	ssyncadd.s32 $0xFFFFFF90  }
0x76: {  	v3 =	vld [tilespmem:s20+$0xE000]  }
0x77: {  	v4 =	vld [tilespmem:s20+$0xE060];
	_ =	sdelay $0x3  }
0x78: {  	v3 =	vxor.u32 $0x80000000, v3  }
0x79: {  	(xrf0) =	vmin.scan.msk.u32 $0xffff, v3;
	v3 =	vxor.u32 $0x80000000, v4  }
0x7a: {  	(xrf0) =	vmax.scan.msk.u32 $0xffff, v3;
	_ =	sdelay $0x4  }
0x7b: {  	v3, _, _ =	vpop (xrf0)  }
0x7c: {  	(v2sf) =	vpush v3, $0xF;
	v3, _, _ =	vpop (xrf0)  }
0x7d: {  	(v2sf) =	vpush v3, $0xF;
	_ =	sdelay $0xd  }
0x7e: {  	s24 =	spop (v2sf)  }
0x7f: {  	s21 =	spop (v2sf)  }
0x80: {  	s16 =	sxor.u32 $0x80000000, s24;
	s21 =	sxor.u32 $0x80000000, s21  }
0x81: {  	p1 =	slt.s32 s16, s18;
	p0 =	sge.s32 s21, s9  }
0x82: {  	p0 =	por !p1, !p0  }
0x83: {  	p6 =	slt.u32 s14, $0x1BF;
	p0 =	por !p0, !p0  }
0x84: {  	p0 =	por !p6, !p0  }
0x85: {  	p0 =	por !p0, !p0  }
.Ltmp7:
0x86: {  	_ = 	snop;
	(pc) =	sbr.rel @!p0 .LBB2_7-.Ltmp7, $4  }
0x87: {  	_ = 	snop  }
0x88: {  	s16 =	simm.s32 $0x1  }
0x89: {  	s16 =	simm.s32 @!p0 $0x0  }
0x8a: {  	[smem:s15] =	sst s16  }
0x8b: {  	s21 =	sadd.s32 $0xFFFFF200, s23  }
0x8c: {  	s16 =	sand.u32 $0x1, s11;
	s22 =	smin.u32 s21, $0xC2E0  }
0x8d: {  	p0 =	seq.s32 s16, $0x1;
	s16 =	simm.s32 $0x3800;
	s5 =	sshll.u32 s22, $0x5  }
0x8e: {  	s16 =	simm.s32 @!p0 $0x0;
	s24 =	sadd.s32 s1, s5  }
0x8f: {  	[tilespmem:s16], [sflag:$0x3] =	stream.strided.gather [hbm4b:s24+s31], $0x3800, s0, s31, $0x38;
	[tilespmem:$0x1E700] =	vst v63  }
0x90: {  	s5 =	sadd.s32 s5, s19;
	s16 =	sadd.s32 $0x7000, s16  }
0x91: {  	[tilespmem:s16], [sflag:$0x4] =	stream.strided.gather [hbm4b:s5+s31], $0x3800, s0, s31, $0x38;
	[tilespmem:$0x1E700] =	vst v63  }
0x92: {  	v3 =	vld [tilespmem:s20+$0xE000]  }
0x93: {  	v4 =	vld [tilespmem:s20+$0xE200];
	_ =	sdelay $0x4  }
0x94: {  	v3 =	vshll.u32 v3, $0x5;
	v4 =	vadd.s32 v0, v4  }
0x95: {  	v51 =	vor.u32 s22, v2;
	v3 =	vadd.s32 v3, v4  }
0x96: {  	vm1 =	vge.u32 v51, s21;
	vm0 =	vlt.u32 v3, $0x1000  }
0x97: {  	vm0 =	vmand vm1, vm0  }
0x98: {  	v3 =	vsel vm0, v3, v1  }
0x99: {  	s24 =	sor.u32 $0xE010, s20;
	[tilespmem:s20+$0xE400] =	vst v3  }
0x9a: {  	s16 =	sor.u32 $0xE210, s20;
	v3 =	vld [tilespmem:s24+$0x0]  }
0x9b: {  	v52 =	vld [tilespmem:s16+$0x0];
	_ =	sdelay $0x4  }
0x9c: {  	s24 =	sadd.s32 $0x10, s22;
	v3 =	vshll.u32 v3, $0x5;
	v4 =	vadd.s32 v0, v52  }
0x9d: {  	v53 =	vor.u32 s24, v2;
	v3 =	vadd.s32 v3, v4  }
0x9e: {  	vm5 =	vge.u32 v53, s21;
	vm4 =	vlt.u32 v3, $0x1000  }
0x9f: {  	vm0 =	vmand vm5, vm4  }
0xa0: {  	s16 =	sor.u32 $0xE410, s20;
	v3 =	vsel vm0, v3, v1  }
0xa1: {  	s24 =	sor.u32 $0xE020, s20;
	[tilespmem:s16+$0x0] =	vst v3  }
0xa2: {  	s16 =	sor.u32 $0xE220, s20;
	v3 =	vld [tilespmem:s24+$0x0]  }
0xa3: {  	v54 =	vld [tilespmem:s16+$0x0];
	_ =	sdelay $0x4  }
0xa4: {  	s24 =	sadd.s32 $0x20, s22;
	v3 =	vshll.u32 v3, $0x5;
	v4 =	vadd.s32 v0, v54  }
0xa5: {  	v55 =	vor.u32 s24, v2;
	v3 =	vadd.s32 v3, v4  }
0xa6: {  	vm7 =	vge.u32 v55, s21;
	vm6 =	vlt.u32 v3, $0x1000  }
0xa7: {  	vm0 =	vmand vm7, vm6  }
0xa8: {  	s16 =	sor.u32 $0xE420, s20;
	v3 =	vsel vm0, v3, v1  }
0xa9: {  	s24 =	sor.u32 $0xE030, s20;
	[tilespmem:s16+$0x0] =	vst v3  }
0xaa: {  	s16 =	sor.u32 $0xE230, s20;
	v3 =	vld [tilespmem:s24+$0x0]  }
0xab: {  	v56 =	vld [tilespmem:s16+$0x0];
	_ =	sdelay $0x4  }
0xac: {  	s24 =	sadd.s32 $0x30, s22;
	v3 =	vshll.u32 v3, $0x5;
	v4 =	vadd.s32 v0, v56  }
0xad: {  	v57 =	vor.u32 s24, v2;
	v3 =	vadd.s32 v3, v4  }
0xae: {  	vm9 =	vge.u32 v57, s21;
	vm8 =	vlt.u32 v3, $0x1000  }
0xaf: {  	vm0 =	vmand vm9, vm8  }
0xb0: {  	s16 =	sor.u32 $0xE430, s20;
	v3 =	vsel vm0, v3, v1  }
0xb1: {  	s24 =	sor.u32 $0xE040, s20;
	[tilespmem:s16+$0x0] =	vst v3  }
0xb2: {  	s16 =	sor.u32 $0xE240, s20;
	v3 =	vld [tilespmem:s24+$0x0]  }
0xb3: {  	v58 =	vld [tilespmem:s16+$0x0];
	_ =	sdelay $0x4  }
0xb4: {  	s24 =	sadd.s32 $0x40, s22;
	v3 =	vshll.u32 v3, $0x5;
	v4 =	vadd.s32 v0, v58  }
0xb5: {  	v59 =	vor.u32 s24, v2;
	v3 =	vadd.s32 v3, v4  }
0xb6: {  	vm11 =	vge.u32 v59, s21;
	vm10 =	vlt.u32 v3, $0x1000  }
0xb7: {  	vm0 =	vmand vm11, vm10  }
0xb8: {  	s16 =	sor.u32 $0xE440, s20;
	v3 =	vsel vm0, v3, v1  }
0xb9: {  	s24 =	sor.u32 $0xE050, s20;
	[tilespmem:s16+$0x0] =	vst v3  }
0xba: {  	s16 =	sor.u32 $0xE250, s20;
	v3 =	vld [tilespmem:s24+$0x0]  }
0xbb: {  	v60 =	vld [tilespmem:s16+$0x0];
	_ =	sdelay $0x4  }
0xbc: {  	s24 =	sadd.s32 $0x50, s22;
	v3 =	vshll.u32 v3, $0x5;
	v4 =	vadd.s32 v0, v60  }
0xbd: {  	v61 =	vor.u32 s24, v2;
	v3 =	vadd.s32 v3, v4  }
0xbe: {  	vm13 =	vge.u32 v61, s21;
	vm12 =	vlt.u32 v3, $0x1000  }
0xbf: {  	vm0 =	vmand vm13, vm12  }
0xc0: {  	s16 =	sor.u32 $0xE450, s20;
	v3 =	vsel vm0, v3, v1  }
0xc1: {  	s20 =	sor.u32 $0x60, s20;
	[tilespmem:s16+$0x0] =	vst v3  }
0xc2: {  	v3 =	vld [tilespmem:s20+$0xE000]  }
0xc3: {  	v62 =	vld [tilespmem:s20+$0xE200];
	_ =	sdelay $0x4  }
0xc4: {  	s24 =	sadd.s32 $0x60, s22;
	v3 =	vshll.u32 v3, $0x5;
	v4 =	vadd.s32 v0, v62  }
.Ltmp8:
0xc5: {  	v63 =	vor.u32 s24, v2;
	v3 =	vadd.s32 v3, v4;
	(pc) =	sbr.rel .LBB2_7-.Ltmp8, $4  }
0xc6: {  	vm15 =	vge.u32 v63, s21;
	vm14 =	vlt.u32 v3, $0x1000  }
0xc7: {  	vm0 =	vmand vm15, vm14  }
0xc8: {  	v3 =	vsel vm0, v3, v1  }
0xc9: {  	[tilespmem:s20+$0xE400] =	vst v3  }
.LBB2_9:
0xca: {  	_ =	sfence.sel $0x180000  }
0xcb: {  	[bflag:$0x0] =	sbarrier.arrive $0xFFFF  }
0xcc: {  	_ =	strace $0x90000047  }
0xcd: {  	s0 =	stileid.u32;
	[bflag:$0x2] =	sbarrier.arrive $0xFFFF  }
0xce: {  	p0 =	sne.s32 s0, $0x0;
	s0 =	rddreg [dreg:$0x6]  }
0xcf: {  	s0 =	sadd.s32 @!p0 $0x100000, s0  }
0xd0: {  	[sflag:s0] =	ssyncadd.tile.s32 @!p0 $0x1;
	_ =	shalt  }
.Lfunc_end2:
_tile_overlayer_lowered:
.L_overlay_start_2:
0xd1: {  	(tag) =	ssettag $0x2  }
0xd2: {  	s0 =	rddreg [dreg:$0x0];
	s2 =	stileid.u32  }
0xd3: {  	s1 =	rddreg [dreg:$0x1];
	p0 =	sne.s32 s2, $0x0  }
0xd4: {  	s3 =	rddreg [dreg:$0x2];
	[bflag:$0x3] =	sbarrier.arrive $0xFFFF;
	s2 =	simm.s32 @!p0 $0x1C07  }
0xd5: {  	[timem:s3], [sflag:s2] =	dma.local @!p0 [hbm:s0], s1  }
0xd6: {  	s0 =	simm.s32 @!p0 $0x7  }
0xd7: {  	_ =	swait.ge @!p0 [sflag:s0], s1  }
0xd8: {  	s1 =	ssub.s32 @!p0 $0x0, s1;
	[sflag:s0] =	ssyncset.done @!p0 $0x0  }
0xd9: {  	[sflag:s0] =	ssyncadd.s32 @!p0 s1  }
0xda: {  	[bflag:$0x3] =	sbarrier.arrive $0xFFFF  }
0xdb: {  	_ =	shalt  }

</sc_bundles>
